<compile_context>
chip_gen: v7x
topology: tpu7x:2x2x1
jax: 0.10.2.dev20260603
libtpu: 0.0.44.dev20260713+nightly
codegen_flags: <defaults>
</compile_context>

<pallas_src>
import functools

import jax
import jax.numpy as jnp
from jax import lax
from jax.experimental import pallas as pl
from jax.experimental.pallas import tpu as pltpu
from jax.experimental.pallas import tpu_sc as plsc

EPS = 1e-12

NC = 2
NS = 16
NW = NC * NS


@functools.lru_cache(maxsize=None)
def _sc_gather_kernel(n, h, chunk, nbuf):
    rows_per_w = n // NW
    nchunk = rows_per_w // chunk
    mesh = plsc.VectorSubcoreMesh(
        core_axis_name="c", subcore_axis_name="s", num_cores=NC, num_subcores=NS
    )

    @functools.partial(
        pl.kernel,
        mesh=mesh,
        out_type=jax.ShapeDtypeStruct((n, h), jnp.float32),
        scratch_types=[
            pltpu.VMEM((rows_per_w,), jnp.int32),
            pltpu.VMEM((nbuf, chunk, h), jnp.float32),
            pltpu.SemaphoreType.DMA((nbuf,)),
            pltpu.SemaphoreType.DMA((nbuf,)),
        ],
    )
    def gather_kernel(ids_hbm, table_hbm, out_hbm, idx_v, rows_v, gsem, wsem):
        wid = lax.axis_index("s") * NC + lax.axis_index("c")
        base = wid * rows_per_w
        pltpu.sync_copy(ids_hbm.at[pl.ds(base, rows_per_w)], idx_v)

        def start_gather(c):
            pltpu.async_copy(
                table_hbm.at[idx_v.at[pl.ds(c * chunk, chunk)]],
                rows_v.at[c % nbuf],
                gsem.at[c % nbuf],
            )

        def wait_gather(c):
            pltpu.make_async_copy(
                table_hbm.at[idx_v.at[pl.ds(c * chunk, chunk)]],
                rows_v.at[c % nbuf],
                gsem.at[c % nbuf],
            ).wait()

        def start_writeback(c):
            pltpu.async_copy(
                rows_v.at[c % nbuf],
                out_hbm.at[pl.ds(base + c * chunk, chunk)],
                wsem.at[c % nbuf],
            )

        def wait_writeback(c):
            pltpu.make_async_copy(
                rows_v.at[c % nbuf],
                out_hbm.at[pl.ds(base + c * chunk, chunk)],
                wsem.at[c % nbuf],
            ).wait()

        for c in range(min(nbuf, nchunk)):
            start_gather(c)
        for c in range(nchunk):
            wait_gather(c)
            start_writeback(c)
            if c + nbuf < nchunk:
                wait_writeback(c)
                start_gather(c + nbuf)
        for c in range(max(0, nchunk - nbuf), nchunk):
            wait_writeback(c)

    return gather_kernel


def _sc_gather(table, ids_flat, chunk, nbuf):
    return _sc_gather_kernel(ids_flat.shape[0], table.shape[1], chunk, nbuf)(
        ids_flat, table
    )


def _tc_fuse_slice(gathered, ttf, pos_emb, type_emb, gamma2, beta2, out_prev, k, br, n):
    seq, h = gathered.shape
    s = pos_emb.shape[0]
    nbat = seq // s
    npos = s // br

    def body(g_ref, tt_ref, pos_ref, type_ref, gam_ref, bet_ref, *refs):
        o_ref = refs[-1]
        x = g_ref[...] + pos_ref[...]
        ttv = tt_ref[...].astype(jnp.float32)
        t0 = type_ref[0:1, :]
        t1 = type_ref[1:2, :]
        x = x + t0 + ttv * (t1 - t0)
        mean = jnp.mean(x, axis=-1, keepdims=True)
        xc = x - mean
        var = jnp.mean(xc * xc, axis=-1, keepdims=True)
        inv = lax.rsqrt(var + EPS)
        o_ref[...] = xc * inv * gam_ref[...] + bet_ref[...]

    in_specs = [
        pl.BlockSpec((br, h), lambda p, b, _np=npos: (b * _np + p, 0)),
        pl.BlockSpec((br, 1), lambda p, b, _np=npos: (b * _np + p, 0)),
        pl.BlockSpec((br, h), lambda p, b: (p, 0)),
        pl.BlockSpec((2, h), lambda p, b: (0, 0)),
        pl.BlockSpec((1, h), lambda p, b: (0, 0)),
        pl.BlockSpec((1, h), lambda p, b: (0, 0)),
    ]
    args = [gathered, ttf, pos_emb, type_emb, gamma2, beta2]
    aliases = {}
    if out_prev is not None:
        in_specs.append(pl.BlockSpec(memory_space=pl.ANY))
        args.append(out_prev)
        aliases = {6: 0}
    nblk = seq // br
    return pl.pallas_call(
        body,
        grid=(npos, nbat),
        in_specs=in_specs,
        out_specs=pl.BlockSpec(
            (br, h), lambda p, b, _k=k, _nblk=nblk, _np=npos: (_k * _nblk + b * _np + p, 0)
        ),
        out_shape=jax.ShapeDtypeStruct((n, h), jnp.float32),
        input_output_aliases=aliases,
    )(*args)


def kernel(input_ids, token_type_ids, word_emb, pos_emb, type_emb, gamma, beta):
    b, s = input_ids.shape
    h = word_emb.shape[1]
    n = b * s
    ids_flat = input_ids.reshape(n).astype(jnp.int32)
    ttf = token_type_ids.reshape(n, 1).astype(jnp.int32)
    gamma2 = gamma.reshape(1, h)
    beta2 = beta.reshape(1, h)
    nslice = 2
    sb = b // nslice
    sl = sb * s
    gathers = [
        _sc_gather(word_emb, ids_flat[k * sl : (k + 1) * sl], chunk=32, nbuf=4)
        for k in range(nslice)
    ]
    out = None
    for k in range(nslice):
        out = _tc_fuse_slice(
            gathers[k],
            ttf[k * sl : (k + 1) * sl],
            pos_emb,
            type_emb,
            gamma2,
            beta2,
            out,
            k,
            br=2048,
            n=n,
        )
    return out.reshape(b, s, h)

# --- scband reference (transcript-rebuilt; emitter-appended) ---
"""Pipeline reference for scband-bert-embedding-8598524527271 (READ-ONLY COPY).

The authoritative reference and input builder live on the scoring server;
editing this copy changes nothing except your own understanding.
"""

import jax, jax.numpy as jnp
import numpy as np

VOCAB = 100000
HIDDEN = 768
MAX_POS = 2048
TYPE_VOCAB = 2
BATCH = 4
SEQ = 2048
EPS = 1e-12


def setup_inputs(seed: int = 0) -> dict:
    key = jax.random.key(seed)
    k1, k2, k3, k4, k5, k6 = jax.random.split(key, 6)
    input_ids = jax.random.randint(k1, (BATCH, SEQ), 0, VOCAB, dtype=jnp.int64 if jax.config.jax_enable_x64 else jnp.int32)
    token_type_ids = jax.random.randint(k2, (BATCH, SEQ), 0, TYPE_VOCAB, dtype=input_ids.dtype)
    word_emb = jax.random.normal(k3, (VOCAB, HIDDEN), dtype=jnp.float32) * 0.02
    # padding_idx=0 -> zero row, as nn.Embedding(padding_idx=0)
    word_emb = word_emb.at[0].set(0.0)
    pos_emb = jax.random.normal(k4, (MAX_POS, HIDDEN), dtype=jnp.float32) * 0.02
    type_emb = jax.random.normal(k5, (TYPE_VOCAB, HIDDEN), dtype=jnp.float32) * 0.02
    gamma = jnp.ones((HIDDEN,), dtype=jnp.float32)
    beta = jnp.zeros((HIDDEN,), dtype=jnp.float32)
    return {
        "input_ids": input_ids,
        "token_type_ids": token_type_ids,
        "word_emb": word_emb,
        "pos_emb": pos_emb,
        "type_emb": type_emb,
        "gamma": gamma,
        "beta": beta,
    }


def _layer_norm(x, gamma, beta):
    mean = jnp.mean(x, axis=-1, keepdims=True)
    var = jnp.mean(jnp.square(x - mean), axis=-1, keepdims=True)
    return (x - mean) / jnp.sqrt(var + EPS) * gamma + beta


def reference(input_ids, token_type_ids, word_emb, pos_emb, type_emb, gamma, beta):
    seq_len = input_ids.shape[1]
    position_ids = jnp.arange(seq_len)[None, :]
    input_embeddings = jnp.take(word_emb, input_ids, axis=0)
    token_type_embeddings = jnp.take(type_emb, token_type_ids, axis=0)
    position_embeddings = jnp.take(pos_emb, position_ids, axis=0)
    embeddings = input_embeddings + token_type_embeddings + position_embeddings
    # dropout is identity in eval mode
    return _layer_norm(embeddings, gamma, beta)

if __name__ == "__main__":
    import jax
    _d = setup_inputs()
    print(jax.jit(kernel)(*tuple(_d.values())))

</pallas_src>

<mosaic_0001>
#map = affine_map<(d0, d1) -> (0)>
#map1 = affine_map<(d0, d1) -> (0, 0)>
module attributes {stable_mosaic.version = 14 : i64} {
  func.func @gather_kernel(%arg0: i32, %arg1: i32, %arg2: memref<4096xi32, #tpu.memory_space<hbm>>, %arg3: memref<100000x768xf32, #tpu.memory_space<hbm>>, %arg4: memref<4096x768xf32, #tpu.memory_space<hbm>>, %arg5: memref<128xi32, #tpu.memory_space<vmem>>, %arg6: memref<4x32x768xf32, #tpu.memory_space<vmem>>, %arg7: memref<4x!tpu.dma_semaphore, #tpu.memory_space<semaphore_mem>>, %arg8: memref<4x!tpu.dma_semaphore, #tpu.memory_space<semaphore_mem>>) attributes {dimension_semantics = [#tpu.dimension_semantics<core_parallel>, #tpu.dimension_semantics<subcore_parallel>], iteration_bounds = array<i64: 2, 16>, scalar_prefetch = 0 : i64, scratch_operands = 4 : i64, tpu.core_type = #tpu.core_type<sc_vector_subcore>, window_params = [{transform_indices = #map}, {transform_indices = #map1}, {transform_indices = #map1}]} {
    %mul3A = arith.constant 2 : i32
    %mul3A_0 = arith.muli %arg1, %mul3A : i32
    %add3A = arith.addi %mul3A_0, %arg0 : i32
    %mul3A_1 = arith.constant 128 : i32
    %mul3A_2 = arith.muli %add3A, %mul3A_1 : i32
    "tpu.region"() ({
      %run_scoped3A = tpu.sem_alloc : memref<!tpu.dma_semaphore, #tpu.memory_space<semaphore_mem>>
      %dma_start3A_249 = tpu.memref_slice %arg2[%mul3A_2] : memref<4096xi32, #tpu.memory_space<hbm>> -> memref<128xi32, #tpu.memory_space<hbm>>
      %dma_start3A_250 = tpu.memref_slice %arg2[%mul3A_2] : memref<4096xi32, #tpu.memory_space<hbm>> -> memref<128xi32, #tpu.memory_space<hbm>>
      tpu.enqueue_dma source(%dma_start3A_250 : memref<128xi32, #tpu.memory_space<hbm>>) target(%arg5 : memref<128xi32, #tpu.memory_space<vmem>>) target_semaphore(%run_scoped3A : memref<!tpu.dma_semaphore, #tpu.memory_space<semaphore_mem>>)
      %dma_wait3A_251 = tpu.memref_slice %arg2[%mul3A_2] : memref<4096xi32, #tpu.memory_space<hbm>> -> memref<128xi32, #tpu.memory_space<hbm>>
      %dma_wait3A_252 = tpu.memref_slice %arg2[%mul3A_2] : memref<4096xi32, #tpu.memory_space<hbm>> -> memref<128xi32, #tpu.memory_space<hbm>>
      tpu.wait_dma2 semaphore(%run_scoped3A : memref<!tpu.dma_semaphore, #tpu.memory_space<semaphore_mem>>) src(%dma_wait3A_252 : memref<128xi32, #tpu.memory_space<hbm>>) dst(%arg5 : memref<128xi32, #tpu.memory_space<vmem>>)
      tpu.yield
    }) : () -> ()
    %dma_start3A = arith.constant 0 : i32
    %dma_start3A_3 = arith.constant 0 : i32
    %dma_start3A_4 = arith.constant 0 : i32
    %dma_start3A_5 = arith.constant 0 : i32
    %dma_start3A_6 = tpu.memref_slice %arg6[%dma_start3A, %dma_start3A_4, %dma_start3A_5] : memref<4x32x768xf32, #tpu.memory_space<vmem>> -> memref<1x32x768xf32, #tpu.memory_space<vmem>>
    %dma_start3A_7 = tpu.memref_squeeze %dma_start3A_6 : memref<1x32x768xf32, #tpu.memory_space<vmem>> -> memref<32x768xf32, #tpu.memory_space<vmem>>
    %dma_start3A_8 = arith.constant 0 : i32
    %dma_start3A_9 = tpu.memref_slice %arg5[%dma_start3A_8] : memref<128xi32, #tpu.memory_space<vmem>> -> memref<32xi32, #tpu.memory_space<vmem>>
    %dma_start3A_10 = arith.constant 0 : i32
    %dma_start3A_11 = arith.constant 0 : i32
    %dma_start3A_12 = tpu.memref_slice %arg3[%dma_start3A_10, %dma_start3A_11] : memref<100000x768xf32, #tpu.memory_space<hbm>> -> memref<100000x768xf32, #tpu.memory_space<hbm>>
    %dma_start3A_13 = tpu.memref_slice %arg7[%dma_start3A_3] : memref<4x!tpu.dma_semaphore, #tpu.memory_space<semaphore_mem>> -> memref<1x!tpu.dma_semaphore, #tpu.memory_space<semaphore_mem>>
    %dma_start3A_14 = tpu.memref_squeeze %dma_start3A_13 : memref<1x!tpu.dma_semaphore, #tpu.memory_space<semaphore_mem>> -> memref<!tpu.dma_semaphore, #tpu.memory_space<semaphore_mem>>
    tpu.enqueue_indirect_dma source(%dma_start3A_12 : memref<100000x768xf32, #tpu.memory_space<hbm>>) target(%dma_start3A_7 : memref<32x768xf32, #tpu.memory_space<vmem>>) offsets(%dma_start3A_9 : memref<32xi32, #tpu.memory_space<vmem>>) semaphore(%dma_start3A_14 : memref<!tpu.dma_semaphore, #tpu.memory_space<semaphore_mem>>)
    %dma_start3A_15 = arith.constant 1 : i32
    %dma_start3A_16 = arith.constant 1 : i32
    %dma_start3A_17 = arith.constant 0 : i32
    %dma_start3A_18 = arith.constant 0 : i32
    %dma_start3A_19 = tpu.memref_slice %arg6[%dma_start3A_15, %dma_start3A_17, %dma_start3A_18] : memref<4x32x768xf32, #tpu.memory_space<vmem>> -> memref<1x32x768xf32, #tpu.memory_space<vmem>>
    %dma_start3A_20 = tpu.memref_squeeze %dma_start3A_19 : memref<1x32x768xf32, #tpu.memory_space<vmem>> -> memref<32x768xf32, #tpu.memory_space<vmem>>
    %dma_start3A_21 = arith.constant 32 : i32
    %dma_start3A_22 = tpu.memref_slice %arg5[%dma_start3A_21] : memref<128xi32, #tpu.memory_space<vmem>> -> memref<32xi32, #tpu.memory_space<vmem>>
    %dma_start3A_23 = arith.constant 0 : i32
    %dma_start3A_24 = arith.constant 0 : i32
    %dma_start3A_25 = tpu.memref_slice %arg3[%dma_start3A_23, %dma_start3A_24] : memref<100000x768xf32, #tpu.memory_space<hbm>> -> memref<100000x768xf32, #tpu.memory_space<hbm>>
    %dma_start3A_26 = tpu.memref_slice %arg7[%dma_start3A_16] : memref<4x!tpu.dma_semaphore, #tpu.memory_space<semaphore_mem>> -> memref<1x!tpu.dma_semaphore, #tpu.memory_space<semaphore_mem>>
    %dma_start3A_27 = tpu.memref_squeeze %dma_start3A_26 : memref<1x!tpu.dma_semaphore, #tpu.memory_space<semaphore_mem>> -> memref<!tpu.dma_semaphore, #tpu.memory_space<semaphore_mem>>
    tpu.enqueue_indirect_dma source(%dma_start3A_25 : memref<100000x768xf32, #tpu.memory_space<hbm>>) target(%dma_start3A_20 : memref<32x768xf32, #tpu.memory_space<vmem>>) offsets(%dma_start3A_22 : memref<32xi32, #tpu.memory_space<vmem>>) semaphore(%dma_start3A_27 : memref<!tpu.dma_semaphore, #tpu.memory_space<semaphore_mem>>)
    %dma_start3A_28 = arith.constant 2 : i32
    %dma_start3A_29 = arith.constant 2 : i32
    %dma_start3A_30 = arith.constant 0 : i32
    %dma_start3A_31 = arith.constant 0 : i32
    %dma_start3A_32 = tpu.memref_slice %arg6[%dma_start3A_28, %dma_start3A_30, %dma_start3A_31] : memref<4x32x768xf32, #tpu.memory_space<vmem>> -> memref<1x32x768xf32, #tpu.memory_space<vmem>>
    %dma_start3A_33 = tpu.memref_squeeze %dma_start3A_32 : memref<1x32x768xf32, #tpu.memory_space<vmem>> -> memref<32x768xf32, #tpu.memory_space<vmem>>
    %dma_start3A_34 = arith.constant 64 : i32
    %dma_start3A_35 = tpu.memref_slice %arg5[%dma_start3A_34] : memref<128xi32, #tpu.memory_space<vmem>> -> memref<32xi32, #tpu.memory_space<vmem>>
    %dma_start3A_36 = arith.constant 0 : i32
    %dma_start3A_37 = arith.constant 0 : i32
    %dma_start3A_38 = tpu.memref_slice %arg3[%dma_start3A_36, %dma_start3A_37] : memref<100000x768xf32, #tpu.memory_space<hbm>> -> memref<100000x768xf32, #tpu.memory_space<hbm>>
    %dma_start3A_39 = tpu.memref_slice %arg7[%dma_start3A_29] : memref<4x!tpu.dma_semaphore, #tpu.memory_space<semaphore_mem>> -> memref<1x!tpu.dma_semaphore, #tpu.memory_space<semaphore_mem>>
    %dma_start3A_40 = tpu.memref_squeeze %dma_start3A_39 : memref<1x!tpu.dma_semaphore, #tpu.memory_space<semaphore_mem>> -> memref<!tpu.dma_semaphore, #tpu.memory_space<semaphore_mem>>
    tpu.enqueue_indirect_dma source(%dma_start3A_38 : memref<100000x768xf32, #tpu.memory_space<hbm>>) target(%dma_start3A_33 : memref<32x768xf32, #tpu.memory_space<vmem>>) offsets(%dma_start3A_35 : memref<32xi32, #tpu.memory_space<vmem>>) semaphore(%dma_start3A_40 : memref<!tpu.dma_semaphore, #tpu.memory_space<semaphore_mem>>)
    %dma_start3A_41 = arith.constant 3 : i32
    %dma_start3A_42 = arith.constant 3 : i32
    %dma_start3A_43 = arith.constant 0 : i32
    %dma_start3A_44 = arith.constant 0 : i32
    %dma_start3A_45 = tpu.memref_slice %arg6[%dma_start3A_41, %dma_start3A_43, %dma_start3A_44] : memref<4x32x768xf32, #tpu.memory_space<vmem>> -> memref<1x32x768xf32, #tpu.memory_space<vmem>>
    %dma_start3A_46 = tpu.memref_squeeze %dma_start3A_45 : memref<1x32x768xf32, #tpu.memory_space<vmem>> -> memref<32x768xf32, #tpu.memory_space<vmem>>
    %dma_start3A_47 = arith.constant 96 : i32
    %dma_start3A_48 = tpu.memref_slice %arg5[%dma_start3A_47] : memref<128xi32, #tpu.memory_space<vmem>> -> memref<32xi32, #tpu.memory_space<vmem>>
    %dma_start3A_49 = arith.constant 0 : i32
    %dma_start3A_50 = arith.constant 0 : i32
    %dma_start3A_51 = tpu.memref_slice %arg3[%dma_start3A_49, %dma_start3A_50] : memref<100000x768xf32, #tpu.memory_space<hbm>> -> memref<100000x768xf32, #tpu.memory_space<hbm>>
    %dma_start3A_52 = tpu.memref_slice %arg7[%dma_start3A_42] : memref<4x!tpu.dma_semaphore, #tpu.memory_space<semaphore_mem>> -> memref<1x!tpu.dma_semaphore, #tpu.memory_space<semaphore_mem>>
    %dma_start3A_53 = tpu.memref_squeeze %dma_start3A_52 : memref<1x!tpu.dma_semaphore, #tpu.memory_space<semaphore_mem>> -> memref<!tpu.dma_semaphore, #tpu.memory_space<semaphore_mem>>
    tpu.enqueue_indirect_dma source(%dma_start3A_51 : memref<100000x768xf32, #tpu.memory_space<hbm>>) target(%dma_start3A_46 : memref<32x768xf32, #tpu.memory_space<vmem>>) offsets(%dma_start3A_48 : memref<32xi32, #tpu.memory_space<vmem>>) semaphore(%dma_start3A_53 : memref<!tpu.dma_semaphore, #tpu.memory_space<semaphore_mem>>)
    %dma_wait3A = arith.constant 0 : i32
    %dma_wait3A_54 = arith.constant 0 : i32
    %dma_wait3A_55 = arith.constant 0 : i32
    %dma_wait3A_56 = arith.constant 0 : i32
    %dma_wait3A_57 = tpu.memref_slice %arg6[%dma_wait3A, %dma_wait3A_55, %dma_wait3A_56] : memref<4x32x768xf32, #tpu.memory_space<vmem>> -> memref<1x32x768xf32, #tpu.memory_space<vmem>>
    %dma_wait3A_58 = tpu.memref_squeeze %dma_wait3A_57 : memref<1x32x768xf32, #tpu.memory_space<vmem>> -> memref<32x768xf32, #tpu.memory_space<vmem>>
    %dma_wait3A_59 = arith.constant 0 : i32
    %dma_wait3A_60 = tpu.memref_slice %arg5[%dma_wait3A_59] : memref<128xi32, #tpu.memory_space<vmem>> -> memref<32xi32, #tpu.memory_space<vmem>>
    %dma_wait3A_61 = arith.constant 0 : i32
    %dma_wait3A_62 = arith.constant 0 : i32
    %dma_wait3A_63 = tpu.memref_slice %arg3[%dma_wait3A_61, %dma_wait3A_62] : memref<100000x768xf32, #tpu.memory_space<hbm>> -> memref<100000x768xf32, #tpu.memory_space<hbm>>
    %dma_wait3A_64 = tpu.memref_slice %arg7[%dma_wait3A_54] : memref<4x!tpu.dma_semaphore, #tpu.memory_space<semaphore_mem>> -> memref<1x!tpu.dma_semaphore, #tpu.memory_space<semaphore_mem>>
    %dma_wait3A_65 = tpu.memref_squeeze %dma_wait3A_64 : memref<1x!tpu.dma_semaphore, #tpu.memory_space<semaphore_mem>> -> memref<!tpu.dma_semaphore, #tpu.memory_space<semaphore_mem>>
    tpu.wait_indirect_dma semaphore(%dma_wait3A_65 : memref<!tpu.dma_semaphore, #tpu.memory_space<semaphore_mem>>) src(%dma_wait3A_63 : memref<100000x768xf32, #tpu.memory_space<hbm>>) dst(%dma_wait3A_58 : memref<32x768xf32, #tpu.memory_space<vmem>>)
    %add3A_66 = arith.constant 0 : i32
    %add3A_67 = arith.addi %mul3A_2, %add3A_66 : i32
    %dma_start3A_68 = arith.constant 0 : i32
    %dma_start3A_69 = arith.constant 0 : i32
    %dma_start3A_70 = arith.constant 0 : i32
    %dma_start3A_71 = arith.constant 0 : i32
    %dma_start3A_72 = tpu.memref_slice %arg6[%dma_start3A_68, %dma_start3A_70, %dma_start3A_71] : memref<4x32x768xf32, #tpu.memory_space<vmem>> -> memref<1x32x768xf32, #tpu.memory_space<vmem>>
    %dma_start3A_73 = tpu.memref_squeeze %dma_start3A_72 : memref<1x32x768xf32, #tpu.memory_space<vmem>> -> memref<32x768xf32, #tpu.memory_space<vmem>>
    %dma_start3A_74 = arith.constant 0 : i32
    %dma_start3A_75 = tpu.memref_slice %arg4[%add3A_67, %dma_start3A_74] : memref<4096x768xf32, #tpu.memory_space<hbm>> -> memref<32x768xf32, #tpu.memory_space<hbm>>
    %dma_start3A_76 = tpu.memref_slice %arg8[%dma_start3A_69] : memref<4x!tpu.dma_semaphore, #tpu.memory_space<semaphore_mem>> -> memref<1x!tpu.dma_semaphore, #tpu.memory_space<semaphore_mem>>
    %dma_start3A_77 = tpu.memref_squeeze %dma_start3A_76 : memref<1x!tpu.dma_semaphore, #tpu.memory_space<semaphore_mem>> -> memref<!tpu.dma_semaphore, #tpu.memory_space<semaphore_mem>>
    %dma_start3A_78 = arith.constant 0 : i32
    %dma_start3A_79 = tpu.memref_slice %arg4[%add3A_67, %dma_start3A_78] : memref<4096x768xf32, #tpu.memory_space<hbm>> -> memref<32x768xf32, #tpu.memory_space<hbm>>
    %dma_start3A_80 = arith.constant 0 : i32
    %dma_start3A_81 = arith.constant 0 : i32
    %dma_start3A_82 = tpu.memref_slice %arg6[%dma_start3A_68, %dma_start3A_80, %dma_start3A_81] : memref<4x32x768xf32, #tpu.memory_space<vmem>> -> memref<1x32x768xf32, #tpu.memory_space<vmem>>
    %dma_start3A_83 = tpu.memref_squeeze %dma_start3A_82 : memref<1x32x768xf32, #tpu.memory_space<vmem>> -> memref<32x768xf32, #tpu.memory_space<vmem>>
    tpu.enqueue_dma source(%dma_start3A_83 : memref<32x768xf32, #tpu.memory_space<vmem>>) target(%dma_start3A_79 : memref<32x768xf32, #tpu.memory_space<hbm>>) target_semaphore(%dma_start3A_77 : memref<!tpu.dma_semaphore, #tpu.memory_space<semaphore_mem>>)
    %dma_wait3A_84 = arith.constant 1 : i32
    %dma_wait3A_85 = arith.constant 1 : i32
    %dma_wait3A_86 = arith.constant 0 : i32
    %dma_wait3A_87 = arith.constant 0 : i32
    %dma_wait3A_88 = tpu.memref_slice %arg6[%dma_wait3A_84, %dma_wait3A_86, %dma_wait3A_87] : memref<4x32x768xf32, #tpu.memory_space<vmem>> -> memref<1x32x768xf32, #tpu.memory_space<vmem>>
    %dma_wait3A_89 = tpu.memref_squeeze %dma_wait3A_88 : memref<1x32x768xf32, #tpu.memory_space<vmem>> -> memref<32x768xf32, #tpu.memory_space<vmem>>
    %dma_wait3A_90 = arith.constant 32 : i32
    %dma_wait3A_91 = tpu.memref_slice %arg5[%dma_wait3A_90] : memref<128xi32, #tpu.memory_space<vmem>> -> memref<32xi32, #tpu.memory_space<vmem>>
    %dma_wait3A_92 = arith.constant 0 : i32
    %dma_wait3A_93 = arith.constant 0 : i32
    %dma_wait3A_94 = tpu.memref_slice %arg3[%dma_wait3A_92, %dma_wait3A_93] : memref<100000x768xf32, #tpu.memory_space<hbm>> -> memref<100000x768xf32, #tpu.memory_space<hbm>>
    %dma_wait3A_95 = tpu.memref_slice %arg7[%dma_wait3A_85] : memref<4x!tpu.dma_semaphore, #tpu.memory_space<semaphore_mem>> -> memref<1x!tpu.dma_semaphore, #tpu.memory_space<semaphore_mem>>
    %dma_wait3A_96 = tpu.memref_squeeze %dma_wait3A_95 : memref<1x!tpu.dma_semaphore, #tpu.memory_space<semaphore_mem>> -> memref<!tpu.dma_semaphore, #tpu.memory_space<semaphore_mem>>
    tpu.wait_indirect_dma semaphore(%dma_wait3A_96 : memref<!tpu.dma_semaphore, #tpu.memory_space<semaphore_mem>>) src(%dma_wait3A_94 : memref<100000x768xf32, #tpu.memory_space<hbm>>) dst(%dma_wait3A_89 : memref<32x768xf32, #tpu.memory_space<vmem>>)
    %add3A_97 = arith.constant 32 : i32
    %add3A_98 = arith.addi %mul3A_2, %add3A_97 : i32
    %dma_start3A_99 = arith.constant 1 : i32
    %dma_start3A_100 = arith.constant 1 : i32
    %dma_start3A_101 = arith.constant 0 : i32
    %dma_start3A_102 = arith.constant 0 : i32
    %dma_start3A_103 = tpu.memref_slice %arg6[%dma_start3A_99, %dma_start3A_101, %dma_start3A_102] : memref<4x32x768xf32, #tpu.memory_space<vmem>> -> memref<1x32x768xf32, #tpu.memory_space<vmem>>
    %dma_start3A_104 = tpu.memref_squeeze %dma_start3A_103 : memref<1x32x768xf32, #tpu.memory_space<vmem>> -> memref<32x768xf32, #tpu.memory_space<vmem>>
    %dma_start3A_105 = arith.constant 0 : i32
    %dma_start3A_106 = tpu.memref_slice %arg4[%add3A_98, %dma_start3A_105] : memref<4096x768xf32, #tpu.memory_space<hbm>> -> memref<32x768xf32, #tpu.memory_space<hbm>>
    %dma_start3A_107 = tpu.memref_slice %arg8[%dma_start3A_100] : memref<4x!tpu.dma_semaphore, #tpu.memory_space<semaphore_mem>> -> memref<1x!tpu.dma_semaphore, #tpu.memory_space<semaphore_mem>>
    %dma_start3A_108 = tpu.memref_squeeze %dma_start3A_107 : memref<1x!tpu.dma_semaphore, #tpu.memory_space<semaphore_mem>> -> memref<!tpu.dma_semaphore, #tpu.memory_space<semaphore_mem>>
    %dma_start3A_109 = arith.constant 0 : i32
    %dma_start3A_110 = tpu.memref_slice %arg4[%add3A_98, %dma_start3A_109] : memref<4096x768xf32, #tpu.memory_space<hbm>> -> memref<32x768xf32, #tpu.memory_space<hbm>>
    %dma_start3A_111 = arith.constant 0 : i32
    %dma_start3A_112 = arith.constant 0 : i32
    %dma_start3A_113 = tpu.memref_slice %arg6[%dma_start3A_99, %dma_start3A_111, %dma_start3A_112] : memref<4x32x768xf32, #tpu.memory_space<vmem>> -> memref<1x32x768xf32, #tpu.memory_space<vmem>>
    %dma_start3A_114 = tpu.memref_squeeze %dma_start3A_113 : memref<1x32x768xf32, #tpu.memory_space<vmem>> -> memref<32x768xf32, #tpu.memory_space<vmem>>
    tpu.enqueue_dma source(%dma_start3A_114 : memref<32x768xf32, #tpu.memory_space<vmem>>) target(%dma_start3A_110 : memref<32x768xf32, #tpu.memory_space<hbm>>) target_semaphore(%dma_start3A_108 : memref<!tpu.dma_semaphore, #tpu.memory_space<semaphore_mem>>)
    %dma_wait3A_115 = arith.constant 2 : i32
    %dma_wait3A_116 = arith.constant 2 : i32
    %dma_wait3A_117 = arith.constant 0 : i32
    %dma_wait3A_118 = arith.constant 0 : i32
    %dma_wait3A_119 = tpu.memref_slice %arg6[%dma_wait3A_115, %dma_wait3A_117, %dma_wait3A_118] : memref<4x32x768xf32, #tpu.memory_space<vmem>> -> memref<1x32x768xf32, #tpu.memory_space<vmem>>
    %dma_wait3A_120 = tpu.memref_squeeze %dma_wait3A_119 : memref<1x32x768xf32, #tpu.memory_space<vmem>> -> memref<32x768xf32, #tpu.memory_space<vmem>>
    %dma_wait3A_121 = arith.constant 64 : i32
    %dma_wait3A_122 = tpu.memref_slice %arg5[%dma_wait3A_121] : memref<128xi32, #tpu.memory_space<vmem>> -> memref<32xi32, #tpu.memory_space<vmem>>
    %dma_wait3A_123 = arith.constant 0 : i32
    %dma_wait3A_124 = arith.constant 0 : i32
    %dma_wait3A_125 = tpu.memref_slice %arg3[%dma_wait3A_123, %dma_wait3A_124] : memref<100000x768xf32, #tpu.memory_space<hbm>> -> memref<100000x768xf32, #tpu.memory_space<hbm>>
    %dma_wait3A_126 = tpu.memref_slice %arg7[%dma_wait3A_116] : memref<4x!tpu.dma_semaphore, #tpu.memory_space<semaphore_mem>> -> memref<1x!tpu.dma_semaphore, #tpu.memory_space<semaphore_mem>>
    %dma_wait3A_127 = tpu.memref_squeeze %dma_wait3A_126 : memref<1x!tpu.dma_semaphore, #tpu.memory_space<semaphore_mem>> -> memref<!tpu.dma_semaphore, #tpu.memory_space<semaphore_mem>>
    tpu.wait_indirect_dma semaphore(%dma_wait3A_127 : memref<!tpu.dma_semaphore, #tpu.memory_space<semaphore_mem>>) src(%dma_wait3A_125 : memref<100000x768xf32, #tpu.memory_space<hbm>>) dst(%dma_wait3A_120 : memref<32x768xf32, #tpu.memory_space<vmem>>)
    %add3A_128 = arith.constant 64 : i32
    %add3A_129 = arith.addi %mul3A_2, %add3A_128 : i32
    %dma_start3A_130 = arith.constant 2 : i32
    %dma_start3A_131 = arith.constant 2 : i32
    %dma_start3A_132 = arith.constant 0 : i32
    %dma_start3A_133 = arith.constant 0 : i32
    %dma_start3A_134 = tpu.memref_slice %arg6[%dma_start3A_130, %dma_start3A_132, %dma_start3A_133] : memref<4x32x768xf32, #tpu.memory_space<vmem>> -> memref<1x32x768xf32, #tpu.memory_space<vmem>>
    %dma_start3A_135 = tpu.memref_squeeze %dma_start3A_134 : memref<1x32x768xf32, #tpu.memory_space<vmem>> -> memref<32x768xf32, #tpu.memory_space<vmem>>
    %dma_start3A_136 = arith.constant 0 : i32
    %dma_start3A_137 = tpu.memref_slice %arg4[%add3A_129, %dma_start3A_136] : memref<4096x768xf32, #tpu.memory_space<hbm>> -> memref<32x768xf32, #tpu.memory_space<hbm>>
    %dma_start3A_138 = tpu.memref_slice %arg8[%dma_start3A_131] : memref<4x!tpu.dma_semaphore, #tpu.memory_space<semaphore_mem>> -> memref<1x!tpu.dma_semaphore, #tpu.memory_space<semaphore_mem>>
    %dma_start3A_139 = tpu.memref_squeeze %dma_start3A_138 : memref<1x!tpu.dma_semaphore, #tpu.memory_space<semaphore_mem>> -> memref<!tpu.dma_semaphore, #tpu.memory_space<semaphore_mem>>
    %dma_start3A_140 = arith.constant 0 : i32
    %dma_start3A_141 = tpu.memref_slice %arg4[%add3A_129, %dma_start3A_140] : memref<4096x768xf32, #tpu.memory_space<hbm>> -> memref<32x768xf32, #tpu.memory_space<hbm>>
    %dma_start3A_142 = arith.constant 0 : i32
    %dma_start3A_143 = arith.constant 0 : i32
    %dma_start3A_144 = tpu.memref_slice %arg6[%dma_start3A_130, %dma_start3A_142, %dma_start3A_143] : memref<4x32x768xf32, #tpu.memory_space<vmem>> -> memref<1x32x768xf32, #tpu.memory_space<vmem>>
    %dma_start3A_145 = tpu.memref_squeeze %dma_start3A_144 : memref<1x32x768xf32, #tpu.memory_space<vmem>> -> memref<32x768xf32, #tpu.memory_space<vmem>>
    tpu.enqueue_dma source(%dma_start3A_145 : memref<32x768xf32, #tpu.memory_space<vmem>>) target(%dma_start3A_141 : memref<32x768xf32, #tpu.memory_space<hbm>>) target_semaphore(%dma_start3A_139 : memref<!tpu.dma_semaphore, #tpu.memory_space<semaphore_mem>>)
    %dma_wait3A_146 = arith.constant 3 : i32
    %dma_wait3A_147 = arith.constant 3 : i32
    %dma_wait3A_148 = arith.constant 0 : i32
    %dma_wait3A_149 = arith.constant 0 : i32
    %dma_wait3A_150 = tpu.memref_slice %arg6[%dma_wait3A_146, %dma_wait3A_148, %dma_wait3A_149] : memref<4x32x768xf32, #tpu.memory_space<vmem>> -> memref<1x32x768xf32, #tpu.memory_space<vmem>>
    %dma_wait3A_151 = tpu.memref_squeeze %dma_wait3A_150 : memref<1x32x768xf32, #tpu.memory_space<vmem>> -> memref<32x768xf32, #tpu.memory_space<vmem>>
    %dma_wait3A_152 = arith.constant 96 : i32
    %dma_wait3A_153 = tpu.memref_slice %arg5[%dma_wait3A_152] : memref<128xi32, #tpu.memory_space<vmem>> -> memref<32xi32, #tpu.memory_space<vmem>>
    %dma_wait3A_154 = arith.constant 0 : i32
    %dma_wait3A_155 = arith.constant 0 : i32
    %dma_wait3A_156 = tpu.memref_slice %arg3[%dma_wait3A_154, %dma_wait3A_155] : memref<100000x768xf32, #tpu.memory_space<hbm>> -> memref<100000x768xf32, #tpu.memory_space<hbm>>
    %dma_wait3A_157 = tpu.memref_slice %arg7[%dma_wait3A_147] : memref<4x!tpu.dma_semaphore, #tpu.memory_space<semaphore_mem>> -> memref<1x!tpu.dma_semaphore, #tpu.memory_space<semaphore_mem>>
    %dma_wait3A_158 = tpu.memref_squeeze %dma_wait3A_157 : memref<1x!tpu.dma_semaphore, #tpu.memory_space<semaphore_mem>> -> memref<!tpu.dma_semaphore, #tpu.memory_space<semaphore_mem>>
    tpu.wait_indirect_dma semaphore(%dma_wait3A_158 : memref<!tpu.dma_semaphore, #tpu.memory_space<semaphore_mem>>) src(%dma_wait3A_156 : memref<100000x768xf32, #tpu.memory_space<hbm>>) dst(%dma_wait3A_151 : memref<32x768xf32, #tpu.memory_space<vmem>>)
    %add3A_159 = arith.constant 96 : i32
    %add3A_160 = arith.addi %mul3A_2, %add3A_159 : i32
    %dma_start3A_161 = arith.constant 3 : i32
    %dma_start3A_162 = arith.constant 3 : i32
    %dma_start3A_163 = arith.constant 0 : i32
    %dma_start3A_164 = arith.constant 0 : i32
    %dma_start3A_165 = tpu.memref_slice %arg6[%dma_start3A_161, %dma_start3A_163, %dma_start3A_164] : memref<4x32x768xf32, #tpu.memory_space<vmem>> -> memref<1x32x768xf32, #tpu.memory_space<vmem>>
    %dma_start3A_166 = tpu.memref_squeeze %dma_start3A_165 : memref<1x32x768xf32, #tpu.memory_space<vmem>> -> memref<32x768xf32, #tpu.memory_space<vmem>>
    %dma_start3A_167 = arith.constant 0 : i32
    %dma_start3A_168 = tpu.memref_slice %arg4[%add3A_160, %dma_start3A_167] : memref<4096x768xf32, #tpu.memory_space<hbm>> -> memref<32x768xf32, #tpu.memory_space<hbm>>
    %dma_start3A_169 = tpu.memref_slice %arg8[%dma_start3A_162] : memref<4x!tpu.dma_semaphore, #tpu.memory_space<semaphore_mem>> -> memref<1x!tpu.dma_semaphore, #tpu.memory_space<semaphore_mem>>
    %dma_start3A_170 = tpu.memref_squeeze %dma_start3A_169 : memref<1x!tpu.dma_semaphore, #tpu.memory_space<semaphore_mem>> -> memref<!tpu.dma_semaphore, #tpu.memory_space<semaphore_mem>>
    %dma_start3A_171 = arith.constant 0 : i32
    %dma_start3A_172 = tpu.memref_slice %arg4[%add3A_160, %dma_start3A_171] : memref<4096x768xf32, #tpu.memory_space<hbm>> -> memref<32x768xf32, #tpu.memory_space<hbm>>
    %dma_start3A_173 = arith.constant 0 : i32
    %dma_start3A_174 = arith.constant 0 : i32
    %dma_start3A_175 = tpu.memref_slice %arg6[%dma_start3A_161, %dma_start3A_173, %dma_start3A_174] : memref<4x32x768xf32, #tpu.memory_space<vmem>> -> memref<1x32x768xf32, #tpu.memory_space<vmem>>
    %dma_start3A_176 = tpu.memref_squeeze %dma_start3A_175 : memref<1x32x768xf32, #tpu.memory_space<vmem>> -> memref<32x768xf32, #tpu.memory_space<vmem>>
    tpu.enqueue_dma source(%dma_start3A_176 : memref<32x768xf32, #tpu.memory_space<vmem>>) target(%dma_start3A_172 : memref<32x768xf32, #tpu.memory_space<hbm>>) target_semaphore(%dma_start3A_170 : memref<!tpu.dma_semaphore, #tpu.memory_space<semaphore_mem>>)
    %add3A_177 = arith.constant 0 : i32
    %add3A_178 = arith.addi %mul3A_2, %add3A_177 : i32
    %dma_wait3A_179 = arith.constant 0 : i32
    %dma_wait3A_180 = arith.constant 0 : i32
    %dma_wait3A_181 = arith.constant 0 : i32
    %dma_wait3A_182 = arith.constant 0 : i32
    %dma_wait3A_183 = tpu.memref_slice %arg6[%dma_wait3A_179, %dma_wait3A_181, %dma_wait3A_182] : memref<4x32x768xf32, #tpu.memory_space<vmem>> -> memref<1x32x768xf32, #tpu.memory_space<vmem>>
    %dma_wait3A_184 = tpu.memref_squeeze %dma_wait3A_183 : memref<1x32x768xf32, #tpu.memory_space<vmem>> -> memref<32x768xf32, #tpu.memory_space<vmem>>
    %dma_wait3A_185 = arith.constant 0 : i32
    %dma_wait3A_186 = tpu.memref_slice %arg4[%add3A_178, %dma_wait3A_185] : memref<4096x768xf32, #tpu.memory_space<hbm>> -> memref<32x768xf32, #tpu.memory_space<hbm>>
    %dma_wait3A_187 = tpu.memref_slice %arg8[%dma_wait3A_180] : memref<4x!tpu.dma_semaphore, #tpu.memory_space<semaphore_mem>> -> memref<1x!tpu.dma_semaphore, #tpu.memory_space<semaphore_mem>>
    %dma_wait3A_188 = tpu.memref_squeeze %dma_wait3A_187 : memref<1x!tpu.dma_semaphore, #tpu.memory_space<semaphore_mem>> -> memref<!tpu.dma_semaphore, #tpu.memory_space<semaphore_mem>>
    %dma_wait3A_189 = arith.constant 0 : i32
    %dma_wait3A_190 = tpu.memref_slice %arg4[%add3A_178, %dma_wait3A_189] : memref<4096x768xf32, #tpu.memory_space<hbm>> -> memref<32x768xf32, #tpu.memory_space<hbm>>
    %dma_wait3A_191 = arith.constant 0 : i32
    %dma_wait3A_192 = arith.constant 0 : i32
    %dma_wait3A_193 = tpu.memref_slice %arg6[%dma_wait3A_179, %dma_wait3A_191, %dma_wait3A_192] : memref<4x32x768xf32, #tpu.memory_space<vmem>> -> memref<1x32x768xf32, #tpu.memory_space<vmem>>
    %dma_wait3A_194 = tpu.memref_squeeze %dma_wait3A_193 : memref<1x32x768xf32, #tpu.memory_space<vmem>> -> memref<32x768xf32, #tpu.memory_space<vmem>>
    tpu.wait_dma2 semaphore(%dma_wait3A_188 : memref<!tpu.dma_semaphore, #tpu.memory_space<semaphore_mem>>) src(%dma_wait3A_194 : memref<32x768xf32, #tpu.memory_space<vmem>>) dst(%dma_wait3A_190 : memref<32x768xf32, #tpu.memory_space<hbm>>)
    %add3A_195 = arith.constant 32 : i32
    %add3A_196 = arith.addi %mul3A_2, %add3A_195 : i32
    %dma_wait3A_197 = arith.constant 1 : i32
    %dma_wait3A_198 = arith.constant 1 : i32
    %dma_wait3A_199 = arith.constant 0 : i32
    %dma_wait3A_200 = arith.constant 0 : i32
    %dma_wait3A_201 = tpu.memref_slice %arg6[%dma_wait3A_197, %dma_wait3A_199, %dma_wait3A_200] : memref<4x32x768xf32, #tpu.memory_space<vmem>> -> memref<1x32x768xf32, #tpu.memory_space<vmem>>
    %dma_wait3A_202 = tpu.memref_squeeze %dma_wait3A_201 : memref<1x32x768xf32, #tpu.memory_space<vmem>> -> memref<32x768xf32, #tpu.memory_space<vmem>>
    %dma_wait3A_203 = arith.constant 0 : i32
    %dma_wait3A_204 = tpu.memref_slice %arg4[%add3A_196, %dma_wait3A_203] : memref<4096x768xf32, #tpu.memory_space<hbm>> -> memref<32x768xf32, #tpu.memory_space<hbm>>
    %dma_wait3A_205 = tpu.memref_slice %arg8[%dma_wait3A_198] : memref<4x!tpu.dma_semaphore, #tpu.memory_space<semaphore_mem>> -> memref<1x!tpu.dma_semaphore, #tpu.memory_space<semaphore_mem>>
    %dma_wait3A_206 = tpu.memref_squeeze %dma_wait3A_205 : memref<1x!tpu.dma_semaphore, #tpu.memory_space<semaphore_mem>> -> memref<!tpu.dma_semaphore, #tpu.memory_space<semaphore_mem>>
    %dma_wait3A_207 = arith.constant 0 : i32
    %dma_wait3A_208 = tpu.memref_slice %arg4[%add3A_196, %dma_wait3A_207] : memref<4096x768xf32, #tpu.memory_space<hbm>> -> memref<32x768xf32, #tpu.memory_space<hbm>>
    %dma_wait3A_209 = arith.constant 0 : i32
    %dma_wait3A_210 = arith.constant 0 : i32
    %dma_wait3A_211 = tpu.memref_slice %arg6[%dma_wait3A_197, %dma_wait3A_209, %dma_wait3A_210] : memref<4x32x768xf32, #tpu.memory_space<vmem>> -> memref<1x32x768xf32, #tpu.memory_space<vmem>>
    %dma_wait3A_212 = tpu.memref_squeeze %dma_wait3A_211 : memref<1x32x768xf32, #tpu.memory_space<vmem>> -> memref<32x768xf32, #tpu.memory_space<vmem>>
    tpu.wait_dma2 semaphore(%dma_wait3A_206 : memref<!tpu.dma_semaphore, #tpu.memory_space<semaphore_mem>>) src(%dma_wait3A_212 : memref<32x768xf32, #tpu.memory_space<vmem>>) dst(%dma_wait3A_208 : memref<32x768xf32, #tpu.memory_space<hbm>>)
    %add3A_213 = arith.constant 64 : i32
    %add3A_214 = arith.addi %mul3A_2, %add3A_213 : i32
    %dma_wait3A_215 = arith.constant 2 : i32
    %dma_wait3A_216 = arith.constant 2 : i32
    %dma_wait3A_217 = arith.constant 0 : i32
    %dma_wait3A_218 = arith.constant 0 : i32
    %dma_wait3A_219 = tpu.memref_slice %arg6[%dma_wait3A_215, %dma_wait3A_217, %dma_wait3A_218] : memref<4x32x768xf32, #tpu.memory_space<vmem>> -> memref<1x32x768xf32, #tpu.memory_space<vmem>>
    %dma_wait3A_220 = tpu.memref_squeeze %dma_wait3A_219 : memref<1x32x768xf32, #tpu.memory_space<vmem>> -> memref<32x768xf32, #tpu.memory_space<vmem>>
    %dma_wait3A_221 = arith.constant 0 : i32
    %dma_wait3A_222 = tpu.memref_slice %arg4[%add3A_214, %dma_wait3A_221] : memref<4096x768xf32, #tpu.memory_space<hbm>> -> memref<32x768xf32, #tpu.memory_space<hbm>>
    %dma_wait3A_223 = tpu.memref_slice %arg8[%dma_wait3A_216] : memref<4x!tpu.dma_semaphore, #tpu.memory_space<semaphore_mem>> -> memref<1x!tpu.dma_semaphore, #tpu.memory_space<semaphore_mem>>
    %dma_wait3A_224 = tpu.memref_squeeze %dma_wait3A_223 : memref<1x!tpu.dma_semaphore, #tpu.memory_space<semaphore_mem>> -> memref<!tpu.dma_semaphore, #tpu.memory_space<semaphore_mem>>
    %dma_wait3A_225 = arith.constant 0 : i32
    %dma_wait3A_226 = tpu.memref_slice %arg4[%add3A_214, %dma_wait3A_225] : memref<4096x768xf32, #tpu.memory_space<hbm>> -> memref<32x768xf32, #tpu.memory_space<hbm>>
    %dma_wait3A_227 = arith.constant 0 : i32
    %dma_wait3A_228 = arith.constant 0 : i32
    %dma_wait3A_229 = tpu.memref_slice %arg6[%dma_wait3A_215, %dma_wait3A_227, %dma_wait3A_228] : memref<4x32x768xf32, #tpu.memory_space<vmem>> -> memref<1x32x768xf32, #tpu.memory_space<vmem>>
    %dma_wait3A_230 = tpu.memref_squeeze %dma_wait3A_229 : memref<1x32x768xf32, #tpu.memory_space<vmem>> -> memref<32x768xf32, #tpu.memory_space<vmem>>
    tpu.wait_dma2 semaphore(%dma_wait3A_224 : memref<!tpu.dma_semaphore, #tpu.memory_space<semaphore_mem>>) src(%dma_wait3A_230 : memref<32x768xf32, #tpu.memory_space<vmem>>) dst(%dma_wait3A_226 : memref<32x768xf32, #tpu.memory_space<hbm>>)
    %add3A_231 = arith.constant 96 : i32
    %add3A_232 = arith.addi %mul3A_2, %add3A_231 : i32
    %dma_wait3A_233 = arith.constant 3 : i32
    %dma_wait3A_234 = arith.constant 3 : i32
    %dma_wait3A_235 = arith.constant 0 : i32
    %dma_wait3A_236 = arith.constant 0 : i32
    %dma_wait3A_237 = tpu.memref_slice %arg6[%dma_wait3A_233, %dma_wait3A_235, %dma_wait3A_236] : memref<4x32x768xf32, #tpu.memory_space<vmem>> -> memref<1x32x768xf32, #tpu.memory_space<vmem>>
    %dma_wait3A_238 = tpu.memref_squeeze %dma_wait3A_237 : memref<1x32x768xf32, #tpu.memory_space<vmem>> -> memref<32x768xf32, #tpu.memory_space<vmem>>
    %dma_wait3A_239 = arith.constant 0 : i32
    %dma_wait3A_240 = tpu.memref_slice %arg4[%add3A_232, %dma_wait3A_239] : memref<4096x768xf32, #tpu.memory_space<hbm>> -> memref<32x768xf32, #tpu.memory_space<hbm>>
    %dma_wait3A_241 = tpu.memref_slice %arg8[%dma_wait3A_234] : memref<4x!tpu.dma_semaphore, #tpu.memory_space<semaphore_mem>> -> memref<1x!tpu.dma_semaphore, #tpu.memory_space<semaphore_mem>>
    %dma_wait3A_242 = tpu.memref_squeeze %dma_wait3A_241 : memref<1x!tpu.dma_semaphore, #tpu.memory_space<semaphore_mem>> -> memref<!tpu.dma_semaphore, #tpu.memory_space<semaphore_mem>>
    %dma_wait3A_243 = arith.constant 0 : i32
    %dma_wait3A_244 = tpu.memref_slice %arg4[%add3A_232, %dma_wait3A_243] : memref<4096x768xf32, #tpu.memory_space<hbm>> -> memref<32x768xf32, #tpu.memory_space<hbm>>
    %dma_wait3A_245 = arith.constant 0 : i32
    %dma_wait3A_246 = arith.constant 0 : i32
    %dma_wait3A_247 = tpu.memref_slice %arg6[%dma_wait3A_233, %dma_wait3A_245, %dma_wait3A_246] : memref<4x32x768xf32, #tpu.memory_space<vmem>> -> memref<1x32x768xf32, #tpu.memory_space<vmem>>
    %dma_wait3A_248 = tpu.memref_squeeze %dma_wait3A_247 : memref<1x32x768xf32, #tpu.memory_space<vmem>> -> memref<32x768xf32, #tpu.memory_space<vmem>>
    tpu.wait_dma2 semaphore(%dma_wait3A_242 : memref<!tpu.dma_semaphore, #tpu.memory_space<semaphore_mem>>) src(%dma_wait3A_248 : memref<32x768xf32, #tpu.memory_space<vmem>>) dst(%dma_wait3A_244 : memref<32x768xf32, #tpu.memory_space<hbm>>)
    return
  }
}

#map = affine_map<(d0, d1) -> (0)>
#map1 = affine_map<(d0, d1) -> (0, 0)>
module attributes {stable_mosaic.version = 14 : i64} {
  func.func @gather_kernel(%arg0: i32, %arg1: i32, %arg2: memref<4096xi32, #tpu.memory_space<hbm>>, %arg3: memref<100000x768xf32, #tpu.memory_space<hbm>>, %arg4: memref<4096x768xf32, #tpu.memory_space<hbm>>, %arg5: memref<128xi32, #tpu.memory_space<vmem>>, %arg6: memref<4x32x768xf32, #tpu.memory_space<vmem>>, %arg7: memref<4x!tpu.dma_semaphore, #tpu.memory_space<semaphore_mem>>, %arg8: memref<4x!tpu.dma_semaphore, #tpu.memory_space<semaphore_mem>>) attributes {dimension_semantics = [#tpu.dimension_semantics<core_parallel>, #tpu.dimension_semantics<subcore_parallel>], iteration_bounds = array<i64: 2, 16>, scalar_prefetch = 0 : i64, scratch_operands = 4 : i64, tpu.core_type = #tpu.core_type<sc_vector_subcore>, window_params = [{transform_indices = #map}, {transform_indices = #map1}, {transform_indices = #map1}]} {
    %mul3A = arith.constant 2 : i32
    %mul3A_0 = arith.muli %arg1, %mul3A : i32
    %add3A = arith.addi %mul3A_0, %arg0 : i32
    %mul3A_1 = arith.constant 128 : i32
    %mul3A_2 = arith.muli %add3A, %mul3A_1 : i32
    "tpu.region"() ({
      %run_scoped3A = tpu.sem_alloc : memref<!tpu.dma_semaphore, #tpu.memory_space<semaphore_mem>>
      %dma_start3A_249 = tpu.memref_slice %arg2[%mul3A_2] : memref<4096xi32, #tpu.memory_space<hbm>> -> memref<128xi32, #tpu.memory_space<hbm>>
      %dma_start3A_250 = tpu.memref_slice %arg2[%mul3A_2] : memref<4096xi32, #tpu.memory_space<hbm>> -> memref<128xi32, #tpu.memory_space<hbm>>
      tpu.enqueue_dma source(%dma_start3A_250 : memref<128xi32, #tpu.memory_space<hbm>>) target(%arg5 : memref<128xi32, #tpu.memory_space<vmem>>) target_semaphore(%run_scoped3A : memref<!tpu.dma_semaphore, #tpu.memory_space<semaphore_mem>>)
      %dma_wait3A_251 = tpu.memref_slice %arg2[%mul3A_2] : memref<4096xi32, #tpu.memory_space<hbm>> -> memref<128xi32, #tpu.memory_space<hbm>>
      %dma_wait3A_252 = tpu.memref_slice %arg2[%mul3A_2] : memref<4096xi32, #tpu.memory_space<hbm>> -> memref<128xi32, #tpu.memory_space<hbm>>
      tpu.wait_dma2 semaphore(%run_scoped3A : memref<!tpu.dma_semaphore, #tpu.memory_space<semaphore_mem>>) src(%dma_wait3A_252 : memref<128xi32, #tpu.memory_space<hbm>>) dst(%arg5 : memref<128xi32, #tpu.memory_space<vmem>>)
      tpu.yield
    }) : () -> ()
    %dma_start3A = arith.constant 0 : i32
    %dma_start3A_3 = arith.constant 0 : i32
    %dma_start3A_4 = arith.constant 0 : i32
    %dma_start3A_5 = arith.constant 0 : i32
    %dma_start3A_6 = tpu.memref_slice %arg6[%dma_start3A, %dma_start3A_4, %dma_start3A_5] : memref<4x32x768xf32, #tpu.memory_space<vmem>> -> memref<1x32x768xf32, #tpu.memory_space<vmem>>
    %dma_start3A_7 = tpu.memref_squeeze %dma_start3A_6 : memref<1x32x768xf32, #tpu.memory_space<vmem>> -> memref<32x768xf32, #tpu.memory_space<vmem>>
    %dma_start3A_8 = arith.constant 0 : i32
    %dma_start3A_9 = tpu.memref_slice %arg5[%dma_start3A_8] : memref<128xi32, #tpu.memory_space<vmem>> -> memref<32xi32, #tpu.memory_space<vmem>>
    %dma_start3A_10 = arith.constant 0 : i32
    %dma_start3A_11 = arith.constant 0 : i32
    %dma_start3A_12 = tpu.memref_slice %arg3[%dma_start3A_10, %dma_start3A_11] : memref<100000x768xf32, #tpu.memory_space<hbm>> -> memref<100000x768xf32, #tpu.memory_space<hbm>>
    %dma_start3A_13 = tpu.memref_slice %arg7[%dma_start3A_3] : memref<4x!tpu.dma_semaphore, #tpu.memory_space<semaphore_mem>> -> memref<1x!tpu.dma_semaphore, #tpu.memory_space<semaphore_mem>>
    %dma_start3A_14 = tpu.memref_squeeze %dma_start3A_13 : memref<1x!tpu.dma_semaphore, #tpu.memory_space<semaphore_mem>> -> memref<!tpu.dma_semaphore, #tpu.memory_space<semaphore_mem>>
    tpu.enqueue_indirect_dma source(%dma_start3A_12 : memref<100000x768xf32, #tpu.memory_space<hbm>>) target(%dma_start3A_7 : memref<32x768xf32, #tpu.memory_space<vmem>>) offsets(%dma_start3A_9 : memref<32xi32, #tpu.memory_space<vmem>>) semaphore(%dma_start3A_14 : memref<!tpu.dma_semaphore, #tpu.memory_space<semaphore_mem>>)
    %dma_start3A_15 = arith.constant 1 : i32
    %dma_start3A_16 = arith.constant 1 : i32
    %dma_start3A_17 = arith.constant 0 : i32
    %dma_start3A_18 = arith.constant 0 : i32
    %dma_start3A_19 = tpu.memref_slice %arg6[%dma_start3A_15, %dma_start3A_17, %dma_start3A_18] : memref<4x32x768xf32, #tpu.memory_space<vmem>> -> memref<1x32x768xf32, #tpu.memory_space<vmem>>
    %dma_start3A_20 = tpu.memref_squeeze %dma_start3A_19 : memref<1x32x768xf32, #tpu.memory_space<vmem>> -> memref<32x768xf32, #tpu.memory_space<vmem>>
    %dma_start3A_21 = arith.constant 32 : i32
    %dma_start3A_22 = tpu.memref_slice %arg5[%dma_start3A_21] : memref<128xi32, #tpu.memory_space<vmem>> -> memref<32xi32, #tpu.memory_space<vmem>>
    %dma_start3A_23 = arith.constant 0 : i32
    %dma_start3A_24 = arith.constant 0 : i32
    %dma_start3A_25 = tpu.memref_slice %arg3[%dma_start3A_23, %dma_start3A_24] : memref<100000x768xf32, #tpu.memory_space<hbm>> -> memref<100000x768xf32, #tpu.memory_space<hbm>>
    %dma_start3A_26 = tpu.memref_slice %arg7[%dma_start3A_16] : memref<4x!tpu.dma_semaphore, #tpu.memory_space<semaphore_mem>> -> memref<1x!tpu.dma_semaphore, #tpu.memory_space<semaphore_mem>>
    %dma_start3A_27 = tpu.memref_squeeze %dma_start3A_26 : memref<1x!tpu.dma_semaphore, #tpu.memory_space<semaphore_mem>> -> memref<!tpu.dma_semaphore, #tpu.memory_space<semaphore_mem>>
    tpu.enqueue_indirect_dma source(%dma_start3A_25 : memref<100000x768xf32, #tpu.memory_space<hbm>>) target(%dma_start3A_20 : memref<32x768xf32, #tpu.memory_space<vmem>>) offsets(%dma_start3A_22 : memref<32xi32, #tpu.memory_space<vmem>>) semaphore(%dma_start3A_27 : memref<!tpu.dma_semaphore, #tpu.memory_space<semaphore_mem>>)
    %dma_start3A_28 = arith.constant 2 : i32
    %dma_start3A_29 = arith.constant 2 : i32
    %dma_start3A_30 = arith.constant 0 : i32
    %dma_start3A_31 = arith.constant 0 : i32
    %dma_start3A_32 = tpu.memref_slice %arg6[%dma_start3A_28, %dma_start3A_30, %dma_start3A_31] : memref<4x32x768xf32, #tpu.memory_space<vmem>> -> memref<1x32x768xf32, #tpu.memory_space<vmem>>
    %dma_start3A_33 = tpu.memref_squeeze %dma_start3A_32 : memref<1x32x768xf32, #tpu.memory_space<vmem>> -> memref<32x768xf32, #tpu.memory_space<vmem>>
    %dma_start3A_34 = arith.constant 64 : i32
    %dma_start3A_35 = tpu.memref_slice %arg5[%dma_start3A_34] : memref<128xi32, #tpu.memory_space<vmem>> -> memref<32xi32, #tpu.memory_space<vmem>>
    %dma_start3A_36 = arith.constant 0 : i32
    %dma_start3A_37 = arith.constant 0 : i32
    %dma_start3A_38 = tpu.memref_slice %arg3[%dma_start3A_36, %dma_start3A_37] : memref<100000x768xf32, #tpu.memory_space<hbm>> -> memref<100000x768xf32, #tpu.memory_space<hbm>>
    %dma_start3A_39 = tpu.memref_slice %arg7[%dma_start3A_29] : memref<4x!tpu.dma_semaphore, #tpu.memory_space<semaphore_mem>> -> memref<1x!tpu.dma_semaphore, #tpu.memory_space<semaphore_mem>>
    %dma_start3A_40 = tpu.memref_squeeze %dma_start3A_39 : memref<1x!tpu.dma_semaphore, #tpu.memory_space<semaphore_mem>> -> memref<!tpu.dma_semaphore, #tpu.memory_space<semaphore_mem>>
    tpu.enqueue_indirect_dma source(%dma_start3A_38 : memref<100000x768xf32, #tpu.memory_space<hbm>>) target(%dma_start3A_33 : memref<32x768xf32, #tpu.memory_space<vmem>>) offsets(%dma_start3A_35 : memref<32xi32, #tpu.memory_space<vmem>>) semaphore(%dma_start3A_40 : memref<!tpu.dma_semaphore, #tpu.memory_space<semaphore_mem>>)
    %dma_start3A_41 = arith.constant 3 : i32
    %dma_start3A_42 = arith.constant 3 : i32
    %dma_start3A_43 = arith.constant 0 : i32
    %dma_start3A_44 = arith.constant 0 : i32
    %dma_start3A_45 = tpu.memref_slice %arg6[%dma_start3A_41, %dma_start3A_43, %dma_start3A_44] : memref<4x32x768xf32, #tpu.memory_space<vmem>> -> memref<1x32x768xf32, #tpu.memory_space<vmem>>
    %dma_start3A_46 = tpu.memref_squeeze %dma_start3A_45 : memref<1x32x768xf32, #tpu.memory_space<vmem>> -> memref<32x768xf32, #tpu.memory_space<vmem>>
    %dma_start3A_47 = arith.constant 96 : i32
    %dma_start3A_48 = tpu.memref_slice %arg5[%dma_start3A_47] : memref<128xi32, #tpu.memory_space<vmem>> -> memref<32xi32, #tpu.memory_space<vmem>>
    %dma_start3A_49 = arith.constant 0 : i32
    %dma_start3A_50 = arith.constant 0 : i32
    %dma_start3A_51 = tpu.memref_slice %arg3[%dma_start3A_49, %dma_start3A_50] : memref<100000x768xf32, #tpu.memory_space<hbm>> -> memref<100000x768xf32, #tpu.memory_space<hbm>>
    %dma_start3A_52 = tpu.memref_slice %arg7[%dma_start3A_42] : memref<4x!tpu.dma_semaphore, #tpu.memory_space<semaphore_mem>> -> memref<1x!tpu.dma_semaphore, #tpu.memory_space<semaphore_mem>>
    %dma_start3A_53 = tpu.memref_squeeze %dma_start3A_52 : memref<1x!tpu.dma_semaphore, #tpu.memory_space<semaphore_mem>> -> memref<!tpu.dma_semaphore, #tpu.memory_space<semaphore_mem>>
    tpu.enqueue_indirect_dma source(%dma_start3A_51 : memref<100000x768xf32, #tpu.memory_space<hbm>>) target(%dma_start3A_46 : memref<32x768xf32, #tpu.memory_space<vmem>>) offsets(%dma_start3A_48 : memref<32xi32, #tpu.memory_space<vmem>>) semaphore(%dma_start3A_53 : memref<!tpu.dma_semaphore, #tpu.memory_space<semaphore_mem>>)
    %dma_wait3A = arith.constant 0 : i32
    %dma_wait3A_54 = arith.constant 0 : i32
    %dma_wait3A_55 = arith.constant 0 : i32
    %dma_wait3A_56 = arith.constant 0 : i32
    %dma_wait3A_57 = tpu.memref_slice %arg6[%dma_wait3A, %dma_wait3A_55, %dma_wait3A_56] : memref<4x32x768xf32, #tpu.memory_space<vmem>> -> memref<1x32x768xf32, #tpu.memory_space<vmem>>
    %dma_wait3A_58 = tpu.memref_squeeze %dma_wait3A_57 : memref<1x32x768xf32, #tpu.memory_space<vmem>> -> memref<32x768xf32, #tpu.memory_space<vmem>>
    %dma_wait3A_59 = arith.constant 0 : i32
    %dma_wait3A_60 = tpu.memref_slice %arg5[%dma_wait3A_59] : memref<128xi32, #tpu.memory_space<vmem>> -> memref<32xi32, #tpu.memory_space<vmem>>
    %dma_wait3A_61 = arith.constant 0 : i32
    %dma_wait3A_62 = arith.constant 0 : i32
    %dma_wait3A_63 = tpu.memref_slice %arg3[%dma_wait3A_61, %dma_wait3A_62] : memref<100000x768xf32, #tpu.memory_space<hbm>> -> memref<100000x768xf32, #tpu.memory_space<hbm>>
    %dma_wait3A_64 = tpu.memref_slice %arg7[%dma_wait3A_54] : memref<4x!tpu.dma_semaphore, #tpu.memory_space<semaphore_mem>> -> memref<1x!tpu.dma_semaphore, #tpu.memory_space<semaphore_mem>>
    %dma_wait3A_65 = tpu.memref_squeeze %dma_wait3A_64 : memref<1x!tpu.dma_semaphore, #tpu.memory_space<semaphore_mem>> -> memref<!tpu.dma_semaphore, #tpu.memory_space<semaphore_mem>>
    tpu.wait_indirect_dma semaphore(%dma_wait3A_65 : memref<!tpu.dma_semaphore, #tpu.memory_space<semaphore_mem>>) src(%dma_wait3A_63 : memref<100000x768xf32, #tpu.memory_space<hbm>>) dst(%dma_wait3A_58 : memref<32x768xf32, #tpu.memory_space<vmem>>)
    %add3A_66 = arith.constant 0 : i32
    %add3A_67 = arith.addi %mul3A_2, %add3A_66 : i32
    %dma_start3A_68 = arith.constant 0 : i32
    %dma_start3A_69 = arith.constant 0 : i32
    %dma_start3A_70 = arith.constant 0 : i32
    %dma_start3A_71 = arith.constant 0 : i32
    %dma_start3A_72 = tpu.memref_slice %arg6[%dma_start3A_68, %dma_start3A_70, %dma_start3A_71] : memref<4x32x768xf32, #tpu.memory_space<vmem>> -> memref<1x32x768xf32, #tpu.memory_space<vmem>>
    %dma_start3A_73 = tpu.memref_squeeze %dma_start3A_72 : memref<1x32x768xf32, #tpu.memory_space<vmem>> -> memref<32x768xf32, #tpu.memory_space<vmem>>
    %dma_start3A_74 = arith.constant 0 : i32
    %dma_start3A_75 = tpu.memref_slice %arg4[%add3A_67, %dma_start3A_74] : memref<4096x768xf32, #tpu.memory_space<hbm>> -> memref<32x768xf32, #tpu.memory_space<hbm>>
    %dma_start3A_76 = tpu.memref_slice %arg8[%dma_start3A_69] : memref<4x!tpu.dma_semaphore, #tpu.memory_space<semaphore_mem>> -> memref<1x!tpu.dma_semaphore, #tpu.memory_space<semaphore_mem>>
    %dma_start3A_77 = tpu.memref_squeeze %dma_start3A_76 : memref<1x!tpu.dma_semaphore, #tpu.memory_space<semaphore_mem>> -> memref<!tpu.dma_semaphore, #tpu.memory_space<semaphore_mem>>
    %dma_start3A_78 = arith.constant 0 : i32
    %dma_start3A_79 = tpu.memref_slice %arg4[%add3A_67, %dma_start3A_78] : memref<4096x768xf32, #tpu.memory_space<hbm>> -> memref<32x768xf32, #tpu.memory_space<hbm>>
    %dma_start3A_80 = arith.constant 0 : i32
    %dma_start3A_81 = arith.constant 0 : i32
    %dma_start3A_82 = tpu.memref_slice %arg6[%dma_start3A_68, %dma_start3A_80, %dma_start3A_81] : memref<4x32x768xf32, #tpu.memory_space<vmem>> -> memref<1x32x768xf32, #tpu.memory_space<vmem>>
    %dma_start3A_83 = tpu.memref_squeeze %dma_start3A_82 : memref<1x32x768xf32, #tpu.memory_space<vmem>> -> memref<32x768xf32, #tpu.memory_space<vmem>>
    tpu.enqueue_dma source(%dma_start3A_83 : memref<32x768xf32, #tpu.memory_space<vmem>>) target(%dma_start3A_79 : memref<32x768xf32, #tpu.memory_space<hbm>>) target_semaphore(%dma_start3A_77 : memref<!tpu.dma_semaphore, #tpu.memory_space<semaphore_mem>>)
    %dma_wait3A_84 = arith.constant 1 : i32
    %dma_wait3A_85 = arith.constant 1 : i32
    %dma_wait3A_86 = arith.constant 0 : i32
    %dma_wait3A_87 = arith.constant 0 : i32
    %dma_wait3A_88 = tpu.memref_slice %arg6[%dma_wait3A_84, %dma_wait3A_86, %dma_wait3A_87] : memref<4x32x768xf32, #tpu.memory_space<vmem>> -> memref<1x32x768xf32, #tpu.memory_space<vmem>>
    %dma_wait3A_89 = tpu.memref_squeeze %dma_wait3A_88 : memref<1x32x768xf32, #tpu.memory_space<vmem>> -> memref<32x768xf32, #tpu.memory_space<vmem>>
    %dma_wait3A_90 = arith.constant 32 : i32
    %dma_wait3A_91 = tpu.memref_slice %arg5[%dma_wait3A_90] : memref<128xi32, #tpu.memory_space<vmem>> -> memref<32xi32, #tpu.memory_space<vmem>>
    %dma_wait3A_92 = arith.constant 0 : i32
    %dma_wait3A_93 = arith.constant 0 : i32
    %dma_wait3A_94 = tpu.memref_slice %arg3[%dma_wait3A_92, %dma_wait3A_93] : memref<100000x768xf32, #tpu.memory_space<hbm>> -> memref<100000x768xf32, #tpu.memory_space<hbm>>
    %dma_wait3A_95 = tpu.memref_slice %arg7[%dma_wait3A_85] : memref<4x!tpu.dma_semaphore, #tpu.memory_space<semaphore_mem>> -> memref<1x!tpu.dma_semaphore, #tpu.memory_space<semaphore_mem>>
    %dma_wait3A_96 = tpu.memref_squeeze %dma_wait3A_95 : memref<1x!tpu.dma_semaphore, #tpu.memory_space<semaphore_mem>> -> memref<!tpu.dma_semaphore, #tpu.memory_space<semaphore_mem>>
    tpu.wait_indirect_dma semaphore(%dma_wait3A_96 : memref<!tpu.dma_semaphore, #tpu.memory_space<semaphore_mem>>) src(%dma_wait3A_94 : memref<100000x768xf32, #tpu.memory_space<hbm>>) dst(%dma_wait3A_89 : memref<32x768xf32, #tpu.memory_space<vmem>>)
    %add3A_97 = arith.constant 32 : i32
    %add3A_98 = arith.addi %mul3A_2, %add3A_97 : i32
    %dma_start3A_99 = arith.constant 1 : i32
    %dma_start3A_100 = arith.constant 1 : i32
    %dma_start3A_101 = arith.constant 0 : i32
    %dma_start3A_102 = arith.constant 0 : i32
    %dma_start3A_103 = tpu.memref_slice %arg6[%dma_start3A_99, %dma_start3A_101, %dma_start3A_102] : memref<4x32x768xf32, #tpu.memory_space<vmem>> -> memref<1x32x768xf32, #tpu.memory_space<vmem>>
    %dma_start3A_104 = tpu.memref_squeeze %dma_start3A_103 : memref<1x32x768xf32, #tpu.memory_space<vmem>> -> memref<32x768xf32, #tpu.memory_space<vmem>>
    %dma_start3A_105 = arith.constant 0 : i32
    %dma_start3A_106 = tpu.memref_slice %arg4[%add3A_98, %dma_start3A_105] : memref<4096x768xf32, #tpu.memory_space<hbm>> -> memref<32x768xf32, #tpu.memory_space<hbm>>
    %dma_start3A_107 = tpu.memref_slice %arg8[%dma_start3A_100] : memref<4x!tpu.dma_semaphore, #tpu.memory_space<semaphore_mem>> -> memref<1x!tpu.dma_semaphore, #tpu.memory_space<semaphore_mem>>
    %dma_start3A_108 = tpu.memref_squeeze %dma_start3A_107 : memref<1x!tpu.dma_semaphore, #tpu.memory_space<semaphore_mem>> -> memref<!tpu.dma_semaphore, #tpu.memory_space<semaphore_mem>>
    %dma_start3A_109 = arith.constant 0 : i32
    %dma_start3A_110 = tpu.memref_slice %arg4[%add3A_98, %dma_start3A_109] : memref<4096x768xf32, #tpu.memory_space<hbm>> -> memref<32x768xf32, #tpu.memory_space<hbm>>
    %dma_start3A_111 = arith.constant 0 : i32
    %dma_start3A_112 = arith.constant 0 : i32
    %dma_start3A_113 = tpu.memref_slice %arg6[%dma_start3A_99, %dma_start3A_111, %dma_start3A_112] : memref<4x32x768xf32, #tpu.memory_space<vmem>> -> memref<1x32x768xf32, #tpu.memory_space<vmem>>
    %dma_start3A_114 = tpu.memref_squeeze %dma_start3A_113 : memref<1x32x768xf32, #tpu.memory_space<vmem>> -> memref<32x768xf32, #tpu.memory_space<vmem>>
    tpu.enqueue_dma source(%dma_start3A_114 : memref<32x768xf32, #tpu.memory_space<vmem>>) target(%dma_start3A_110 : memref<32x768xf32, #tpu.memory_space<hbm>>) target_semaphore(%dma_start3A_108 : memref<!tpu.dma_semaphore, #tpu.memory_space<semaphore_mem>>)
    %dma_wait3A_115 = arith.constant 2 : i32
    %dma_wait3A_116 = arith.constant 2 : i32
    %dma_wait3A_117 = arith.constant 0 : i32
    %dma_wait3A_118 = arith.constant 0 : i32
    %dma_wait3A_119 = tpu.memref_slice %arg6[%dma_wait3A_115, %dma_wait3A_117, %dma_wait3A_118] : memref<4x32x768xf32, #tpu.memory_space<vmem>> -> memref<1x32x768xf32, #tpu.memory_space<vmem>>
    %dma_wait3A_120 = tpu.memref_squeeze %dma_wait3A_119 : memref<1x32x768xf32, #tpu.memory_space<vmem>> -> memref<32x768xf32, #tpu.memory_space<vmem>>
    %dma_wait3A_121 = arith.constant 64 : i32
    %dma_wait3A_122 = tpu.memref_slice %arg5[%dma_wait3A_121] : memref<128xi32, #tpu.memory_space<vmem>> -> memref<32xi32, #tpu.memory_space<vmem>>
    %dma_wait3A_123 = arith.constant 0 : i32
    %dma_wait3A_124 = arith.constant 0 : i32
    %dma_wait3A_125 = tpu.memref_slice %arg3[%dma_wait3A_123, %dma_wait3A_124] : memref<100000x768xf32, #tpu.memory_space<hbm>> -> memref<100000x768xf32, #tpu.memory_space<hbm>>
    %dma_wait3A_126 = tpu.memref_slice %arg7[%dma_wait3A_116] : memref<4x!tpu.dma_semaphore, #tpu.memory_space<semaphore_mem>> -> memref<1x!tpu.dma_semaphore, #tpu.memory_space<semaphore_mem>>
    %dma_wait3A_127 = tpu.memref_squeeze %dma_wait3A_126 : memref<1x!tpu.dma_semaphore, #tpu.memory_space<semaphore_mem>> -> memref<!tpu.dma_semaphore, #tpu.memory_space<semaphore_mem>>
    tpu.wait_indirect_dma semaphore(%dma_wait3A_127 : memref<!tpu.dma_semaphore, #tpu.memory_space<semaphore_mem>>) src(%dma_wait3A_125 : memref<100000x768xf32, #tpu.memory_space<hbm>>) dst(%dma_wait3A_120 : memref<32x768xf32, #tpu.memory_space<vmem>>)
    %add3A_128 = arith.constant 64 : i32
    %add3A_129 = arith.addi %mul3A_2, %add3A_128 : i32
    %dma_start3A_130 = arith.constant 2 : i32
    %dma_start3A_131 = arith.constant 2 : i32
    %dma_start3A_132 = arith.constant 0 : i32
    %dma_start3A_133 = arith.constant 0 : i32
    %dma_start3A_134 = tpu.memref_slice %arg6[%dma_start3A_130, %dma_start3A_132, %dma_start3A_133] : memref<4x32x768xf32, #tpu.memory_space<vmem>> -> memref<1x32x768xf32, #tpu.memory_space<vmem>>
    %dma_start3A_135 = tpu.memref_squeeze %dma_start3A_134 : memref<1x32x768xf32, #tpu.memory_space<vmem>> -> memref<32x768xf32, #tpu.memory_space<vmem>>
    %dma_start3A_136 = arith.constant 0 : i32
    %dma_start3A_137 = tpu.memref_slice %arg4[%add3A_129, %dma_start3A_136] : memref<4096x768xf32, #tpu.memory_space<hbm>> -> memref<32x768xf32, #tpu.memory_space<hbm>>
    %dma_start3A_138 = tpu.memref_slice %arg8[%dma_start3A_131] : memref<4x!tpu.dma_semaphore, #tpu.memory_space<semaphore_mem>> -> memref<1x!tpu.dma_semaphore, #tpu.memory_space<semaphore_mem>>
    %dma_start3A_139 = tpu.memref_squeeze %dma_start3A_138 : memref<1x!tpu.dma_semaphore, #tpu.memory_space<semaphore_mem>> -> memref<!tpu.dma_semaphore, #tpu.memory_space<semaphore_mem>>
    %dma_start3A_140 = arith.constant 0 : i32
    %dma_start3A_141 = tpu.memref_slice %arg4[%add3A_129, %dma_start3A_140] : memref<4096x768xf32, #tpu.memory_space<hbm>> -> memref<32x768xf32, #tpu.memory_space<hbm>>
    %dma_start3A_142 = arith.constant 0 : i32
    %dma_start3A_143 = arith.constant 0 : i32
    %dma_start3A_144 = tpu.memref_slice %arg6[%dma_start3A_130, %dma_start3A_142, %dma_start3A_143] : memref<4x32x768xf32, #tpu.memory_space<vmem>> -> memref<1x32x768xf32, #tpu.memory_space<vmem>>
    %dma_start3A_145 = tpu.memref_squeeze %dma_start3A_144 : memref<1x32x768xf32, #tpu.memory_space<vmem>> -> memref<32x768xf32, #tpu.memory_space<vmem>>
    tpu.enqueue_dma source(%dma_start3A_145 : memref<32x768xf32, #tpu.memory_space<vmem>>) target(%dma_start3A_141 : memref<32x768xf32, #tpu.memory_space<hbm>>) target_semaphore(%dma_start3A_139 : memref<!tpu.dma_semaphore, #tpu.memory_space<semaphore_mem>>)
    %dma_wait3A_146 = arith.constant 3 : i32
    %dma_wait3A_147 = arith.constant 3 : i32
    %dma_wait3A_148 = arith.constant 0 : i32
    %dma_wait3A_149 = arith.constant 0 : i32
    %dma_wait3A_150 = tpu.memref_slice %arg6[%dma_wait3A_146, %dma_wait3A_148, %dma_wait3A_149] : memref<4x32x768xf32, #tpu.memory_space<vmem>> -> memref<1x32x768xf32, #tpu.memory_space<vmem>>
    %dma_wait3A_151 = tpu.memref_squeeze %dma_wait3A_150 : memref<1x32x768xf32, #tpu.memory_space<vmem>> -> memref<32x768xf32, #tpu.memory_space<vmem>>
    %dma_wait3A_152 = arith.constant 96 : i32
    %dma_wait3A_153 = tpu.memref_slice %arg5[%dma_wait3A_152] : memref<128xi32, #tpu.memory_space<vmem>> -> memref<32xi32, #tpu.memory_space<vmem>>
    %dma_wait3A_154 = arith.constant 0 : i32
    %dma_wait3A_155 = arith.constant 0 : i32
    %dma_wait3A_156 = tpu.memref_slice %arg3[%dma_wait3A_154, %dma_wait3A_155] : memref<100000x768xf32, #tpu.memory_space<hbm>> -> memref<100000x768xf32, #tpu.memory_space<hbm>>
    %dma_wait3A_157 = tpu.memref_slice %arg7[%dma_wait3A_147] : memref<4x!tpu.dma_semaphore, #tpu.memory_space<semaphore_mem>> -> memref<1x!tpu.dma_semaphore, #tpu.memory_space<semaphore_mem>>
    %dma_wait3A_158 = tpu.memref_squeeze %dma_wait3A_157 : memref<1x!tpu.dma_semaphore, #tpu.memory_space<semaphore_mem>> -> memref<!tpu.dma_semaphore, #tpu.memory_space<semaphore_mem>>
    tpu.wait_indirect_dma semaphore(%dma_wait3A_158 : memref<!tpu.dma_semaphore, #tpu.memory_space<semaphore_mem>>) src(%dma_wait3A_156 : memref<100000x768xf32, #tpu.memory_space<hbm>>) dst(%dma_wait3A_151 : memref<32x768xf32, #tpu.memory_space<vmem>>)
    %add3A_159 = arith.constant 96 : i32
    %add3A_160 = arith.addi %mul3A_2, %add3A_159 : i32
    %dma_start3A_161 = arith.constant 3 : i32
    %dma_start3A_162 = arith.constant 3 : i32
    %dma_start3A_163 = arith.constant 0 : i32
    %dma_start3A_164 = arith.constant 0 : i32
    %dma_start3A_165 = tpu.memref_slice %arg6[%dma_start3A_161, %dma_start3A_163, %dma_start3A_164] : memref<4x32x768xf32, #tpu.memory_space<vmem>> -> memref<1x32x768xf32, #tpu.memory_space<vmem>>
    %dma_start3A_166 = tpu.memref_squeeze %dma_start3A_165 : memref<1x32x768xf32, #tpu.memory_space<vmem>> -> memref<32x768xf32, #tpu.memory_space<vmem>>
    %dma_start3A_167 = arith.constant 0 : i32
    %dma_start3A_168 = tpu.memref_slice %arg4[%add3A_160, %dma_start3A_167] : memref<4096x768xf32, #tpu.memory_space<hbm>> -> memref<32x768xf32, #tpu.memory_space<hbm>>
    %dma_start3A_169 = tpu.memref_slice %arg8[%dma_start3A_162] : memref<4x!tpu.dma_semaphore, #tpu.memory_space<semaphore_mem>> -> memref<1x!tpu.dma_semaphore, #tpu.memory_space<semaphore_mem>>
    %dma_start3A_170 = tpu.memref_squeeze %dma_start3A_169 : memref<1x!tpu.dma_semaphore, #tpu.memory_space<semaphore_mem>> -> memref<!tpu.dma_semaphore, #tpu.memory_space<semaphore_mem>>
    %dma_start3A_171 = arith.constant 0 : i32
    %dma_start3A_172 = tpu.memref_slice %arg4[%add3A_160, %dma_start3A_171] : memref<4096x768xf32, #tpu.memory_space<hbm>> -> memref<32x768xf32, #tpu.memory_space<hbm>>
    %dma_start3A_173 = arith.constant 0 : i32
    %dma_start3A_174 = arith.constant 0 : i32
    %dma_start3A_175 = tpu.memref_slice %arg6[%dma_start3A_161, %dma_start3A_173, %dma_start3A_174] : memref<4x32x768xf32, #tpu.memory_space<vmem>> -> memref<1x32x768xf32, #tpu.memory_space<vmem>>
    %dma_start3A_176 = tpu.memref_squeeze %dma_start3A_175 : memref<1x32x768xf32, #tpu.memory_space<vmem>> -> memref<32x768xf32, #tpu.memory_space<vmem>>
    tpu.enqueue_dma source(%dma_start3A_176 : memref<32x768xf32, #tpu.memory_space<vmem>>) target(%dma_start3A_172 : memref<32x768xf32, #tpu.memory_space<hbm>>) target_semaphore(%dma_start3A_170 : memref<!tpu.dma_semaphore, #tpu.memory_space<semaphore_mem>>)
    %add3A_177 = arith.constant 0 : i32
    %add3A_178 = arith.addi %mul3A_2, %add3A_177 : i32
    %dma_wait3A_179 = arith.constant 0 : i32
    %dma_wait3A_180 = arith.constant 0 : i32
    %dma_wait3A_181 = arith.constant 0 : i32
    %dma_wait3A_182 = arith.constant 0 : i32
    %dma_wait3A_183 = tpu.memref_slice %arg6[%dma_wait3A_179, %dma_wait3A_181, %dma_wait3A_182] : memref<4x32x768xf32, #tpu.memory_space<vmem>> -> memref<1x32x768xf32, #tpu.memory_space<vmem>>
    %dma_wait3A_184 = tpu.memref_squeeze %dma_wait3A_183 : memref<1x32x768xf32, #tpu.memory_space<vmem>> -> memref<32x768xf32, #tpu.memory_space<vmem>>
    %dma_wait3A_185 = arith.constant 0 : i32
    %dma_wait3A_186 = tpu.memref_slice %arg4[%add3A_178, %dma_wait3A_185] : memref<4096x768xf32, #tpu.memory_space<hbm>> -> memref<32x768xf32, #tpu.memory_space<hbm>>
    %dma_wait3A_187 = tpu.memref_slice %arg8[%dma_wait3A_180] : memref<4x!tpu.dma_semaphore, #tpu.memory_space<semaphore_mem>> -> memref<1x!tpu.dma_semaphore, #tpu.memory_space<semaphore_mem>>
    %dma_wait3A_188 = tpu.memref_squeeze %dma_wait3A_187 : memref<1x!tpu.dma_semaphore, #tpu.memory_space<semaphore_mem>> -> memref<!tpu.dma_semaphore, #tpu.memory_space<semaphore_mem>>
    %dma_wait3A_189 = arith.constant 0 : i32
    %dma_wait3A_190 = tpu.memref_slice %arg4[%add3A_178, %dma_wait3A_189] : memref<4096x768xf32, #tpu.memory_space<hbm>> -> memref<32x768xf32, #tpu.memory_space<hbm>>
    %dma_wait3A_191 = arith.constant 0 : i32
    %dma_wait3A_192 = arith.constant 0 : i32
    %dma_wait3A_193 = tpu.memref_slice %arg6[%dma_wait3A_179, %dma_wait3A_191, %dma_wait3A_192] : memref<4x32x768xf32, #tpu.memory_space<vmem>> -> memref<1x32x768xf32, #tpu.memory_space<vmem>>
    %dma_wait3A_194 = tpu.memref_squeeze %dma_wait3A_193 : memref<1x32x768xf32, #tpu.memory_space<vmem>> -> memref<32x768xf32, #tpu.memory_space<vmem>>
    tpu.wait_dma2 semaphore(%dma_wait3A_188 : memref<!tpu.dma_semaphore, #tpu.memory_space<semaphore_mem>>) src(%dma_wait3A_194 : memref<32x768xf32, #tpu.memory_space<vmem>>) dst(%dma_wait3A_190 : memref<32x768xf32, #tpu.memory_space<hbm>>)
    %add3A_195 = arith.constant 32 : i32
    %add3A_196 = arith.addi %mul3A_2, %add3A_195 : i32
    %dma_wait3A_197 = arith.constant 1 : i32
    %dma_wait3A_198 = arith.constant 1 : i32
    %dma_wait3A_199 = arith.constant 0 : i32
    %dma_wait3A_200 = arith.constant 0 : i32
    %dma_wait3A_201 = tpu.memref_slice %arg6[%dma_wait3A_197, %dma_wait3A_199, %dma_wait3A_200] : memref<4x32x768xf32, #tpu.memory_space<vmem>> -> memref<1x32x768xf32, #tpu.memory_space<vmem>>
    %dma_wait3A_202 = tpu.memref_squeeze %dma_wait3A_201 : memref<1x32x768xf32, #tpu.memory_space<vmem>> -> memref<32x768xf32, #tpu.memory_space<vmem>>
    %dma_wait3A_203 = arith.constant 0 : i32
    %dma_wait3A_204 = tpu.memref_slice %arg4[%add3A_196, %dma_wait3A_203] : memref<4096x768xf32, #tpu.memory_space<hbm>> -> memref<32x768xf32, #tpu.memory_space<hbm>>
    %dma_wait3A_205 = tpu.memref_slice %arg8[%dma_wait3A_198] : memref<4x!tpu.dma_semaphore, #tpu.memory_space<semaphore_mem>> -> memref<1x!tpu.dma_semaphore, #tpu.memory_space<semaphore_mem>>
    %dma_wait3A_206 = tpu.memref_squeeze %dma_wait3A_205 : memref<1x!tpu.dma_semaphore, #tpu.memory_space<semaphore_mem>> -> memref<!tpu.dma_semaphore, #tpu.memory_space<semaphore_mem>>
    %dma_wait3A_207 = arith.constant 0 : i32
    %dma_wait3A_208 = tpu.memref_slice %arg4[%add3A_196, %dma_wait3A_207] : memref<4096x768xf32, #tpu.memory_space<hbm>> -> memref<32x768xf32, #tpu.memory_space<hbm>>
    %dma_wait3A_209 = arith.constant 0 : i32
    %dma_wait3A_210 = arith.constant 0 : i32
    %dma_wait3A_211 = tpu.memref_slice %arg6[%dma_wait3A_197, %dma_wait3A_209, %dma_wait3A_210] : memref<4x32x768xf32, #tpu.memory_space<vmem>> -> memref<1x32x768xf32, #tpu.memory_space<vmem>>
    %dma_wait3A_212 = tpu.memref_squeeze %dma_wait3A_211 : memref<1x32x768xf32, #tpu.memory_space<vmem>> -> memref<32x768xf32, #tpu.memory_space<vmem>>
    tpu.wait_dma2 semaphore(%dma_wait3A_206 : memref<!tpu.dma_semaphore, #tpu.memory_space<semaphore_mem>>) src(%dma_wait3A_212 : memref<32x768xf32, #tpu.memory_space<vmem>>) dst(%dma_wait3A_208 : memref<32x768xf32, #tpu.memory_space<hbm>>)
    %add3A_213 = arith.constant 64 : i32
    %add3A_214 = arith.addi %mul3A_2, %add3A_213 : i32
    %dma_wait3A_215 = arith.constant 2 : i32
    %dma_wait3A_216 = arith.constant 2 : i32
    %dma_wait3A_217 = arith.constant 0 : i32
    %dma_wait3A_218 = arith.constant 0 : i32
    %dma_wait3A_219 = tpu.memref_slice %arg6[%dma_wait3A_215, %dma_wait3A_217, %dma_wait3A_218] : memref<4x32x768xf32, #tpu.memory_space<vmem>> -> memref<1x32x768xf32, #tpu.memory_space<vmem>>
    %dma_wait3A_220 = tpu.memref_squeeze %dma_wait3A_219 : memref<1x32x768xf32, #tpu.memory_space<vmem>> -> memref<32x768xf32, #tpu.memory_space<vmem>>
    %dma_wait3A_221 = arith.constant 0 : i32
    %dma_wait3A_222 = tpu.memref_slice %arg4[%add3A_214, %dma_wait3A_221] : memref<4096x768xf32, #tpu.memory_space<hbm>> -> memref<32x768xf32, #tpu.memory_space<hbm>>
    %dma_wait3A_223 = tpu.memref_slice %arg8[%dma_wait3A_216] : memref<4x!tpu.dma_semaphore, #tpu.memory_space<semaphore_mem>> -> memref<1x!tpu.dma_semaphore, #tpu.memory_space<semaphore_mem>>
    %dma_wait3A_224 = tpu.memref_squeeze %dma_wait3A_223 : memref<1x!tpu.dma_semaphore, #tpu.memory_space<semaphore_mem>> -> memref<!tpu.dma_semaphore, #tpu.memory_space<semaphore_mem>>
    %dma_wait3A_225 = arith.constant 0 : i32
    %dma_wait3A_226 = tpu.memref_slice %arg4[%add3A_214, %dma_wait3A_225] : memref<4096x768xf32, #tpu.memory_space<hbm>> -> memref<32x768xf32, #tpu.memory_space<hbm>>
    %dma_wait3A_227 = arith.constant 0 : i32
    %dma_wait3A_228 = arith.constant 0 : i32
    %dma_wait3A_229 = tpu.memref_slice %arg6[%dma_wait3A_215, %dma_wait3A_227, %dma_wait3A_228] : memref<4x32x768xf32, #tpu.memory_space<vmem>> -> memref<1x32x768xf32, #tpu.memory_space<vmem>>
    %dma_wait3A_230 = tpu.memref_squeeze %dma_wait3A_229 : memref<1x32x768xf32, #tpu.memory_space<vmem>> -> memref<32x768xf32, #tpu.memory_space<vmem>>
    tpu.wait_dma2 semaphore(%dma_wait3A_224 : memref<!tpu.dma_semaphore, #tpu.memory_space<semaphore_mem>>) src(%dma_wait3A_230 : memref<32x768xf32, #tpu.memory_space<vmem>>) dst(%dma_wait3A_226 : memref<32x768xf32, #tpu.memory_space<hbm>>)
    %add3A_231 = arith.constant 96 : i32
    %add3A_232 = arith.addi %mul3A_2, %add3A_231 : i32
    %dma_wait3A_233 = arith.constant 3 : i32
    %dma_wait3A_234 = arith.constant 3 : i32
    %dma_wait3A_235 = arith.constant 0 : i32
    %dma_wait3A_236 = arith.constant 0 : i32
    %dma_wait3A_237 = tpu.memref_slice %arg6[%dma_wait3A_233, %dma_wait3A_235, %dma_wait3A_236] : memref<4x32x768xf32, #tpu.memory_space<vmem>> -> memref<1x32x768xf32, #tpu.memory_space<vmem>>
    %dma_wait3A_238 = tpu.memref_squeeze %dma_wait3A_237 : memref<1x32x768xf32, #tpu.memory_space<vmem>> -> memref<32x768xf32, #tpu.memory_space<vmem>>
    %dma_wait3A_239 = arith.constant 0 : i32
    %dma_wait3A_240 = tpu.memref_slice %arg4[%add3A_232, %dma_wait3A_239] : memref<4096x768xf32, #tpu.memory_space<hbm>> -> memref<32x768xf32, #tpu.memory_space<hbm>>
    %dma_wait3A_241 = tpu.memref_slice %arg8[%dma_wait3A_234] : memref<4x!tpu.dma_semaphore, #tpu.memory_space<semaphore_mem>> -> memref<1x!tpu.dma_semaphore, #tpu.memory_space<semaphore_mem>>
    %dma_wait3A_242 = tpu.memref_squeeze %dma_wait3A_241 : memref<1x!tpu.dma_semaphore, #tpu.memory_space<semaphore_mem>> -> memref<!tpu.dma_semaphore, #tpu.memory_space<semaphore_mem>>
    %dma_wait3A_243 = arith.constant 0 : i32
    %dma_wait3A_244 = tpu.memref_slice %arg4[%add3A_232, %dma_wait3A_243] : memref<4096x768xf32, #tpu.memory_space<hbm>> -> memref<32x768xf32, #tpu.memory_space<hbm>>
    %dma_wait3A_245 = arith.constant 0 : i32
    %dma_wait3A_246 = arith.constant 0 : i32
    %dma_wait3A_247 = tpu.memref_slice %arg6[%dma_wait3A_233, %dma_wait3A_245, %dma_wait3A_246] : memref<4x32x768xf32, #tpu.memory_space<vmem>> -> memref<1x32x768xf32, #tpu.memory_space<vmem>>
    %dma_wait3A_248 = tpu.memref_squeeze %dma_wait3A_247 : memref<1x32x768xf32, #tpu.memory_space<vmem>> -> memref<32x768xf32, #tpu.memory_space<vmem>>
    tpu.wait_dma2 semaphore(%dma_wait3A_242 : memref<!tpu.dma_semaphore, #tpu.memory_space<semaphore_mem>>) src(%dma_wait3A_248 : memref<32x768xf32, #tpu.memory_space<vmem>>) dst(%dma_wait3A_244 : memref<32x768xf32, #tpu.memory_space<hbm>>)
    return
  }
}

module attributes {stable_mosaic.version = 14 : i64} {
  func.func @body(%arg0: i32, %arg1: i32, %arg2: memref<2048x768xf32, #tpu.memory_space<vmem>>, %arg3: memref<2048x1xi32, #tpu.memory_space<vmem>>, %arg4: memref<2048x768xf32, #tpu.memory_space<vmem>>, %arg5: memref<2x768xf32, #tpu.memory_space<vmem>>, %arg6: memref<1x768xf32, #tpu.memory_space<vmem>>, %arg7: memref<1x768xf32, #tpu.memory_space<vmem>>, %arg8: memref<2048x768xf32, #tpu.memory_space<vmem>>) attributes {dimension_semantics = [#tpu.dimension_semantics<arbitrary>, #tpu.dimension_semantics<arbitrary>], iteration_bounds = array<i64: 1, 2>, scalar_prefetch = 0 : i64, scratch_operands = 0 : i64, tpu.core_type = #tpu.core_type<tc>, window_params = [{transform_indices = @transform_0, window_bounds = array<i64: 2048, 768>}, {transform_indices = @transform_1, window_bounds = array<i64: 2048, 1>}, {transform_indices = @transform_2, window_bounds = array<i64: 2048, 768>}, {pipeline_mode = #tpu.pipeline_mode<synchronous>, transform_indices = @transform_3, window_bounds = array<i64: 2, 768>}, {pipeline_mode = #tpu.pipeline_mode<synchronous>, transform_indices = @transform_4, window_bounds = array<i64: 1, 768>}, {pipeline_mode = #tpu.pipeline_mode<synchronous>, transform_indices = @transform_5, window_bounds = array<i64: 1, 768>}, {transform_indices = @transform_6, window_bounds = array<i64: 2048, 768>}]} {
    %get3A = arith.constant 0 : index
    %get3A_0 = arith.constant 0 : index
    %get3A_1 = vector.load %arg2[%get3A, %get3A_0] : memref<2048x768xf32, #tpu.memory_space<vmem>>, vector<2048x768xf32>
    %get3A_2 = arith.constant 0 : index
    %get3A_3 = arith.constant 0 : index
    %get3A_4 = vector.load %arg4[%get3A_2, %get3A_3] : memref<2048x768xf32, #tpu.memory_space<vmem>>, vector<2048x768xf32>
    %add3A = arith.addf %get3A_1, %get3A_4 : vector<2048x768xf32>
    %get3A_5 = arith.constant 0 : index
    %get3A_6 = arith.constant 0 : index
    %get3A_7 = vector.load %arg3[%get3A_5, %get3A_6] : memref<2048x1xi32, #tpu.memory_space<vmem>>, vector<2048x1xi32>
    %convert_element_type3A = arith.sitofp %get3A_7 : vector<2048x1xi32> to vector<2048x1xf32>
    %get3A_8 = arith.constant 0 : index
    %get3A_9 = arith.constant 0 : index
    %get3A_10 = vector.load %arg5[%get3A_8, %get3A_9] : memref<2x768xf32, #tpu.memory_space<vmem>>, vector<1x768xf32>
    %get3A_11 = arith.constant 1 : index
    %get3A_12 = arith.constant 0 : index
    %get3A_13 = vector.load %arg5[%get3A_11, %get3A_12] : memref<2x768xf32, #tpu.memory_space<vmem>>, vector<1x768xf32>
    %add3A_14 = vector.broadcast %get3A_10 : vector<1x768xf32> to vector<2048x768xf32>
    %add3A_15 = arith.addf %add3A, %add3A_14 : vector<2048x768xf32>
    %sub3A = arith.subf %get3A_13, %get3A_10 : vector<1x768xf32>
    %mul3A = vector.broadcast %convert_element_type3A : vector<2048x1xf32> to vector<2048x768xf32>
    %mul3A_16 = vector.broadcast %sub3A : vector<1x768xf32> to vector<2048x768xf32>
    %mul3A_17 = arith.mulf %mul3A, %mul3A_16 : vector<2048x768xf32>
    %add3A_18 = arith.addf %add3A_15, %mul3A_17 : vector<2048x768xf32>
    %reduce_sum3A = arith.constant dense<0.000000e+00> : vector<2048xf32>
    %reduce_sum3A_19 = vector.multi_reduction <add>, %add3A_18, %reduce_sum3A [1] : vector<2048x768xf32> to vector<2048xf32>
    %broadcast_in_dim3A = vector.shape_cast %reduce_sum3A_19 : vector<2048xf32> to vector<2048x1xf32>
    %div3A = arith.constant 7.680000e+02 : f32
    %div3A_20 = vector.broadcast %div3A : f32 to vector<2048x1xf32>
    %div3A_21 = arith.divf %broadcast_in_dim3A, %div3A_20 : vector<2048x1xf32>
    %sub3A_22 = vector.broadcast %div3A_21 : vector<2048x1xf32> to vector<2048x768xf32>
    %sub3A_23 = arith.subf %add3A_18, %sub3A_22 : vector<2048x768xf32>
    %mul3A_24 = arith.mulf %sub3A_23, %sub3A_23 : vector<2048x768xf32>
    %reduce_sum3A_25 = arith.constant dense<0.000000e+00> : vector<2048xf32>
    %reduce_sum3A_26 = vector.multi_reduction <add>, %mul3A_24, %reduce_sum3A_25 [1] : vector<2048x768xf32> to vector<2048xf32>
    %broadcast_in_dim3A_27 = vector.shape_cast %reduce_sum3A_26 : vector<2048xf32> to vector<2048x1xf32>
    %div3A_28 = arith.constant 7.680000e+02 : f32
    %div3A_29 = vector.broadcast %div3A_28 : f32 to vector<2048x1xf32>
    %div3A_30 = arith.divf %broadcast_in_dim3A_27, %div3A_29 : vector<2048x1xf32>
    %add3A_31 = arith.constant 9.99999996E-13 : f32
    %add3A_32 = vector.broadcast %add3A_31 : f32 to vector<2048x1xf32>
    %add3A_33 = arith.addf %div3A_30, %add3A_32 : vector<2048x1xf32>
    %rsqrt3A = math.rsqrt %add3A_33 : vector<2048x1xf32>
    %mul3A_34 = vector.broadcast %rsqrt3A : vector<2048x1xf32> to vector<2048x768xf32>
    %mul3A_35 = arith.mulf %sub3A_23, %mul3A_34 : vector<2048x768xf32>
    %get3A_36 = arith.constant 0 : index
    %get3A_37 = arith.constant 0 : index
    %get3A_38 = vector.load %arg6[%get3A_36, %get3A_37] : memref<1x768xf32, #tpu.memory_space<vmem>>, vector<1x768xf32>
    %mul3A_39 = vector.broadcast %get3A_38 : vector<1x768xf32> to vector<2048x768xf32>
    %mul3A_40 = arith.mulf %mul3A_35, %mul3A_39 : vector<2048x768xf32>
    %get3A_41 = arith.constant 0 : index
    %get3A_42 = arith.constant 0 : index
    %get3A_43 = vector.load %arg7[%get3A_41, %get3A_42] : memref<1x768xf32, #tpu.memory_space<vmem>>, vector<1x768xf32>
    %add3A_44 = vector.broadcast %get3A_43 : vector<1x768xf32> to vector<2048x768xf32>
    %add3A_45 = arith.addf %mul3A_40, %add3A_44 : vector<2048x768xf32>
    %swap3A = arith.constant 0 : index
    %swap3A_46 = arith.constant 0 : index
    %swap3A_47 = vector.load %arg8[%swap3A, %swap3A_46] : memref<2048x768xf32, #tpu.memory_space<vmem>>, vector<2048x768xf32>
    tpu.vector_store %arg8[%swap3A, %swap3A_46], %add3A_45 {strides = array<i32>} : memref<2048x768xf32, #tpu.memory_space<vmem>>, vector<2048x768xf32>,
    return
  }
  func.func @transform_0(%arg0: i32, %arg1: i32) -> (i32, i32) {
    %mul3A = arith.constant 1 : i32
    %mul3A_0 = arith.muli %arg1, %mul3A : i32
    %add3A = arith.addi %mul3A_0, %arg0 : i32
    %c0_i32 = arith.constant 0 : i32
    %c0_i32_1 = arith.constant 0 : i32
    return %add3A, %c0_i32 : i32, i32
  }
  func.func @transform_1(%arg0: i32, %arg1: i32) -> (i32, i32) {
    %mul3A = arith.constant 1 : i32
    %mul3A_0 = arith.muli %arg1, %mul3A : i32
    %add3A = arith.addi %mul3A_0, %arg0 : i32
    %c0_i32 = arith.constant 0 : i32
    %c0_i32_1 = arith.constant 0 : i32
    return %add3A, %c0_i32 : i32, i32
  }
  func.func @transform_2(%arg0: i32, %arg1: i32) -> (i32, i32) {
    %c0_i32 = arith.constant 0 : i32
    %c0_i32_0 = arith.constant 0 : i32
    return %arg0, %c0_i32 : i32, i32
  }
  func.func @transform_3(%arg0: i32, %arg1: i32) -> (i32, i32) {
    %c0_i32 = arith.constant 0 : i32
    %c0_i32_0 = arith.constant 0 : i32
    %c0_i32_1 = arith.constant 0 : i32
    return %c0_i32, %c0_i32_0 : i32, i32
  }
  func.func @transform_4(%arg0: i32, %arg1: i32) -> (i32, i32) {
    %c0_i32 = arith.constant 0 : i32
    %c0_i32_0 = arith.constant 0 : i32
    %c0_i32_1 = arith.constant 0 : i32
    return %c0_i32, %c0_i32_0 : i32, i32
  }
  func.func @transform_5(%arg0: i32, %arg1: i32) -> (i32, i32) {
    %c0_i32 = arith.constant 0 : i32
    %c0_i32_0 = arith.constant 0 : i32
    %c0_i32_1 = arith.constant 0 : i32
    return %c0_i32, %c0_i32_0 : i32, i32
  }
  func.func @transform_6(%arg0: i32, %arg1: i32) -> (i32, i32) {
    %mul3A = arith.constant 1 : i32
    %mul3A_0 = arith.muli %arg1, %mul3A : i32
    %add3A = arith.constant 0 : i32
    %add3A_1 = arith.addi %add3A, %mul3A_0 : i32
    %add3A_2 = arith.addi %add3A_1, %arg0 : i32
    %c0_i32 = arith.constant 0 : i32
    %c0_i32_3 = arith.constant 0 : i32
    return %add3A_2, %c0_i32 : i32, i32
  }
}

module attributes {stable_mosaic.version = 14 : i64} {
  func.func @body(%arg0: i32, %arg1: i32, %arg2: memref<2048x768xf32, #tpu.memory_space<vmem>>, %arg3: memref<2048x1xi32, #tpu.memory_space<vmem>>, %arg4: memref<2048x768xf32, #tpu.memory_space<vmem>>, %arg5: memref<2x768xf32, #tpu.memory_space<vmem>>, %arg6: memref<1x768xf32, #tpu.memory_space<vmem>>, %arg7: memref<1x768xf32, #tpu.memory_space<vmem>>, %arg8: memref<8192x768xf32, #tpu.memory_space<any>>, %arg9: memref<2048x768xf32, #tpu.memory_space<vmem>>) attributes {dimension_semantics = [#tpu.dimension_semantics<arbitrary>, #tpu.dimension_semantics<arbitrary>], iteration_bounds = array<i64: 1, 2>, scalar_prefetch = 0 : i64, scratch_operands = 0 : i64, tpu.core_type = #tpu.core_type<tc>, window_params = [{transform_indices = @transform_0, window_bounds = array<i64: 2048, 768>}, {transform_indices = @transform_1, window_bounds = array<i64: 2048, 1>}, {transform_indices = @transform_2, window_bounds = array<i64: 2048, 768>}, {pipeline_mode = #tpu.pipeline_mode<synchronous>, transform_indices = @transform_3, window_bounds = array<i64: 2, 768>}, {pipeline_mode = #tpu.pipeline_mode<synchronous>, transform_indices = @transform_4, window_bounds = array<i64: 1, 768>}, {pipeline_mode = #tpu.pipeline_mode<synchronous>, transform_indices = @transform_5, window_bounds = array<i64: 1, 768>}, {}, {transform_indices = @transform_7, window_bounds = array<i64: 2048, 768>}]} {
    %get3A = arith.constant 0 : index
    %get3A_0 = arith.constant 0 : index
    %get3A_1 = vector.load %arg2[%get3A, %get3A_0] : memref<2048x768xf32, #tpu.memory_space<vmem>>, vector<2048x768xf32>
    %get3A_2 = arith.constant 0 : index
    %get3A_3 = arith.constant 0 : index
    %get3A_4 = vector.load %arg4[%get3A_2, %get3A_3] : memref<2048x768xf32, #tpu.memory_space<vmem>>, vector<2048x768xf32>
    %add3A = arith.addf %get3A_1, %get3A_4 : vector<2048x768xf32>
    %get3A_5 = arith.constant 0 : index
    %get3A_6 = arith.constant 0 : index
    %get3A_7 = vector.load %arg3[%get3A_5, %get3A_6] : memref<2048x1xi32, #tpu.memory_space<vmem>>, vector<2048x1xi32>
    %convert_element_type3A = arith.sitofp %get3A_7 : vector<2048x1xi32> to vector<2048x1xf32>
    %get3A_8 = arith.constant 0 : index
    %get3A_9 = arith.constant 0 : index
    %get3A_10 = vector.load %arg5[%get3A_8, %get3A_9] : memref<2x768xf32, #tpu.memory_space<vmem>>, vector<1x768xf32>
    %get3A_11 = arith.constant 1 : index
    %get3A_12 = arith.constant 0 : index
    %get3A_13 = vector.load %arg5[%get3A_11, %get3A_12] : memref<2x768xf32, #tpu.memory_space<vmem>>, vector<1x768xf32>
    %add3A_14 = vector.broadcast %get3A_10 : vector<1x768xf32> to vector<2048x768xf32>
    %add3A_15 = arith.addf %add3A, %add3A_14 : vector<2048x768xf32>
    %sub3A = arith.subf %get3A_13, %get3A_10 : vector<1x768xf32>
    %mul3A = vector.broadcast %convert_element_type3A : vector<2048x1xf32> to vector<2048x768xf32>
    %mul3A_16 = vector.broadcast %sub3A : vector<1x768xf32> to vector<2048x768xf32>
    %mul3A_17 = arith.mulf %mul3A, %mul3A_16 : vector<2048x768xf32>
    %add3A_18 = arith.addf %add3A_15, %mul3A_17 : vector<2048x768xf32>
    %reduce_sum3A = arith.constant dense<0.000000e+00> : vector<2048xf32>
    %reduce_sum3A_19 = vector.multi_reduction <add>, %add3A_18, %reduce_sum3A [1] : vector<2048x768xf32> to vector<2048xf32>
    %broadcast_in_dim3A = vector.shape_cast %reduce_sum3A_19 : vector<2048xf32> to vector<2048x1xf32>
    %div3A = arith.constant 7.680000e+02 : f32
    %div3A_20 = vector.broadcast %div3A : f32 to vector<2048x1xf32>
    %div3A_21 = arith.divf %broadcast_in_dim3A, %div3A_20 : vector<2048x1xf32>
    %sub3A_22 = vector.broadcast %div3A_21 : vector<2048x1xf32> to vector<2048x768xf32>
    %sub3A_23 = arith.subf %add3A_18, %sub3A_22 : vector<2048x768xf32>
    %mul3A_24 = arith.mulf %sub3A_23, %sub3A_23 : vector<2048x768xf32>
    %reduce_sum3A_25 = arith.constant dense<0.000000e+00> : vector<2048xf32>
    %reduce_sum3A_26 = vector.multi_reduction <add>, %mul3A_24, %reduce_sum3A_25 [1] : vector<2048x768xf32> to vector<2048xf32>
    %broadcast_in_dim3A_27 = vector.shape_cast %reduce_sum3A_26 : vector<2048xf32> to vector<2048x1xf32>
    %div3A_28 = arith.constant 7.680000e+02 : f32
    %div3A_29 = vector.broadcast %div3A_28 : f32 to vector<2048x1xf32>
    %div3A_30 = arith.divf %broadcast_in_dim3A_27, %div3A_29 : vector<2048x1xf32>
    %add3A_31 = arith.constant 9.99999996E-13 : f32
    %add3A_32 = vector.broadcast %add3A_31 : f32 to vector<2048x1xf32>
    %add3A_33 = arith.addf %div3A_30, %add3A_32 : vector<2048x1xf32>
    %rsqrt3A = math.rsqrt %add3A_33 : vector<2048x1xf32>
    %mul3A_34 = vector.broadcast %rsqrt3A : vector<2048x1xf32> to vector<2048x768xf32>
    %mul3A_35 = arith.mulf %sub3A_23, %mul3A_34 : vector<2048x768xf32>
    %get3A_36 = arith.constant 0 : index
    %get3A_37 = arith.constant 0 : index
    %get3A_38 = vector.load %arg6[%get3A_36, %get3A_37] : memref<1x768xf32, #tpu.memory_space<vmem>>, vector<1x768xf32>
    %mul3A_39 = vector.broadcast %get3A_38 : vector<1x768xf32> to vector<2048x768xf32>
    %mul3A_40 = arith.mulf %mul3A_35, %mul3A_39 : vector<2048x768xf32>
    %get3A_41 = arith.constant 0 : index
    %get3A_42 = arith.constant 0 : index
    %get3A_43 = vector.load %arg7[%get3A_41, %get3A_42] : memref<1x768xf32, #tpu.memory_space<vmem>>, vector<1x768xf32>
    %add3A_44 = vector.broadcast %get3A_43 : vector<1x768xf32> to vector<2048x768xf32>
    %add3A_45 = arith.addf %mul3A_40, %add3A_44 : vector<2048x768xf32>
    %swap3A = arith.constant 0 : index
    %swap3A_46 = arith.constant 0 : index
    %swap3A_47 = vector.load %arg9[%swap3A, %swap3A_46] : memref<2048x768xf32, #tpu.memory_space<vmem>>, vector<2048x768xf32>
    tpu.vector_store %arg9[%swap3A, %swap3A_46], %add3A_45 {strides = array<i32>} : memref<2048x768xf32, #tpu.memory_space<vmem>>, vector<2048x768xf32>,
    return
  }
  func.func @transform_0(%arg0: i32, %arg1: i32) -> (i32, i32) {
    %mul3A = arith.constant 1 : i32
    %mul3A_0 = arith.muli %arg1, %mul3A : i32
    %add3A = arith.addi %mul3A_0, %arg0 : i32
    %c0_i32 = arith.constant 0 : i32
    %c0_i32_1 = arith.constant 0 : i32
    return %add3A, %c0_i32 : i32, i32
  }
  func.func @transform_1(%arg0: i32, %arg1: i32) -> (i32, i32) {
    %mul3A = arith.constant 1 : i32
    %mul3A_0 = arith.muli %arg1, %mul3A : i32
    %add3A = arith.addi %mul3A_0, %arg0 : i32
    %c0_i32 = arith.constant 0 : i32
    %c0_i32_1 = arith.constant 0 : i32
    return %add3A, %c0_i32 : i32, i32
  }
  func.func @transform_2(%arg0: i32, %arg1: i32) -> (i32, i32) {
    %c0_i32 = arith.constant 0 : i32
    %c0_i32_0 = arith.constant 0 : i32
    return %arg0, %c0_i32 : i32, i32
  }
  func.func @transform_3(%arg0: i32, %arg1: i32) -> (i32, i32) {
    %c0_i32 = arith.constant 0 : i32
    %c0_i32_0 = arith.constant 0 : i32
    %c0_i32_1 = arith.constant 0 : i32
    return %c0_i32, %c0_i32_0 : i32, i32
  }
  func.func @transform_4(%arg0: i32, %arg1: i32) -> (i32, i32) {
    %c0_i32 = arith.constant 0 : i32
    %c0_i32_0 = arith.constant 0 : i32
    %c0_i32_1 = arith.constant 0 : i32
    return %c0_i32, %c0_i32_0 : i32, i32
  }
  func.func @transform_5(%arg0: i32, %arg1: i32) -> (i32, i32) {
    %c0_i32 = arith.constant 0 : i32
    %c0_i32_0 = arith.constant 0 : i32
    %c0_i32_1 = arith.constant 0 : i32
    return %c0_i32, %c0_i32_0 : i32, i32
  }
  func.func @transform_7(%arg0: i32, %arg1: i32) -> (i32, i32) {
    %mul3A = arith.constant 1 : i32
    %mul3A_0 = arith.muli %arg1, %mul3A : i32
    %add3A = arith.constant 2 : i32
    %add3A_1 = arith.addi %add3A, %mul3A_0 : i32
    %add3A_2 = arith.addi %add3A_1, %arg0 : i32
    %c0_i32 = arith.constant 0 : i32
    %c0_i32_3 = arith.constant 0 : i32
    return %add3A_2, %c0_i32 : i32, i32
  }
}

</mosaic_0001>

<sc_bundles>
// kernel: kernel.6.cloned.1.call-start
scs
__scs_entry_jumppad:
0x0: {  	(pc) =	sbr.rel $0x88, $3  }
0x1: {  	(tag) =	ssettag $0x0;
	lr =	simm.s32 $0x1  }
0x2: {  	[smem:$0x3F9A] =	sst lr;
	_ =	strace $0xD0000000  }
0x3: {  	_ = 	snop  }
0x4: {  	_ = 	snop  }
0x5: {  	_ = 	snop  }
0x6: {  	_ = 	snop  }
0x7: {  	_ = 	snop  }
__scs_overlays_trampoline_lowered:
0x8: {  	[smem:$0x3FA9] =	sst s0  }
0x9: {  	[smem:$0x3FAA] =	sst s1  }
0xa: {  	[smem:$0x3FAB] =	sst s2  }
0xb: {  	[smem:$0x3FAC] =	sst s3  }
0xc: {  	[smem:$0x3FAD] =	sst s4  }
0xd: {  	[smem:$0x3FAE] =	sst s5  }
0xe: {  	[smem:$0x3FAF] =	sst s6  }
0xf: {  	[smem:$0x3FB0] =	sst s7  }
0x10: {  	[smem:$0x3FB1] =	sst s8  }
0x11: {  	[smem:$0x3FB2] =	sst s9;
	s0 =	simm.s32 @!p0 $0x0  }
0x12: {  	s1 =	sld [smem:$0x3F98];
	s0 =	simm.s32 @p0 $0x1  }
0x13: {  	[smem:$0x3FB3] =	sst s0;
	s0 =	simm.s32 @!p1 $0x0  }
0x14: {  	s2 =	sld [smem:$0x3F97];
	s0 =	simm.s32 @p1 $0x1  }
0x15: {  	[smem:$0x3FB4] =	sst s0;
	s0 =	simm.s32 @!p2 $0x0  }
0x16: {  	s3 =	sld [smem:$0x3FDB];
	s0 =	simm.s32 @p2 $0x1  }
0x17: {  	s4 =	simm.s32 $0x1BF5;
	[smem:$0x3FB6] =	sst s0  }
0x18: {  	s0 =	sld [smem:$0x3F99];
	_ =	swait.ge [sflag:s4], $0x0  }
0x19: {  	s7 =	sld [smem:$0x3F9A]  }
0x1a: {  	s8 =	sadd.s32 $0xFFFFE003, lr  }
0x1b: {  	s9 =	sadd.s32 $0xFFFFFEF7, lr;
	s5 =	simm.s32 $0xFFFFFFFF;
	p2 =	slt.u32 s8, $0xFFFFF086  }
0x1c: {  	p1 =	slt.u32 s9, $0xF7A;
	s5 =	simm.s32 @!p2 $0x0  }
0x1d: {  	s5 =	simm.s32 @p1 $0x1;
	p0 =	seq.s32 s7, s2  }
0x1e: {  	s7 =	smul.u32 @!p0 $0xF7A, s2;
	p2 =	seq.s32 @!p0 s5, $0x0  }
0x1f: {  	s9 =	smul.u32 $0xF7A, s1;
	s8 =	simm.s32 @!p0 $0x1BF5;
	p2 =	por !p2, p0  }
0x20: {  	[sflag:s8] =	ssyncset.s32 @!p0 $0xFFFFF086;
	s6 =	sadd.s32 @!p0 s3, s7;
	s7 =	simm.s32 @!p0 $0x108  }
0x21: {  	s3 =	sadd.s32 s3, s9;
	s6 =	sadd.s32 @!p0 $0x88, s6;
	s7 =	simm.s32 @p2 $0x1082  }
0x22: {  	[simem:s7], [sflag:s8] =	dma.local @!p0 [hbm:s6], $0xF7A  }
0x23: {  	s9 =	sor.u32 $0xD0000000, s2;
	s6 =	simm.s32 $0x108;
	_ =	swait.ge @!p0 [sflag:s8], $0x0  }
0x24: {  	s3 =	sadd.s32 $0x88, s3;
	s6 =	simm.s32 @!p1 $0x1082;
	[sflag:s4] =	ssyncset.s32 $0xFFFFF086  }
0x25: {  	[simem:s6], [sflag:s4] =	dma.local [hbm:s3], $0xF7A  }
0x26: {  	[smem:$0x3F9A] =	sst s1;
	(tag) =	ssettag s2;
	_ =	strace s9  }
0x27: {  	s1 =	sld [smem:$0x3FAA]  }
0x28: {  	s2 =	sld [smem:$0x3FAB]  }
0x29: {  	s4 =	sld [smem:$0x3FAD]  }
0x2a: {  	p0 =	seq.s32 s5, $0x0;
	s5 =	sld [smem:$0x3FAE]  }
0x2b: {  	s6 =	sld [smem:$0x3FAF]  }
0x2c: {  	s7 =	sld [smem:$0x3FB0]  }
0x2d: {  	s3 =	simm.s32 $0x108;
	s8 =	sld [smem:$0x3FB1]  }
0x2e: {  	s3 =	simm.s32 @!p0 $0x1082;
	s9 =	sld [smem:$0x3FB2]  }
0x2f: {  	lr =	sadd.s32 s0, s3;
	s0 =	sld [smem:$0x3FA9]  }
0x30: {  	s3 =	sld [smem:$0x3FAC]  }
0x31: {  	[smem:$0x3FB5] =	sst s10  }
0x32: {  	s10 =	sld [smem:$0x3FB3];
	_ =	sdelay $0x3  }
0x33: {  	p0 =	seq.s32 s10, $0x1;
	s10 =	sld [smem:$0x3FB5];
	_ =	sdelay $0x3  }
0x34: {  	[smem:$0x3FB5] =	sst s10  }
0x35: {  	s10 =	sld [smem:$0x3FB4];
	_ =	sdelay $0x3  }
0x36: {  	p1 =	seq.s32 s10, $0x1;
	s10 =	sld [smem:$0x3FB5];
	_ =	sdelay $0x3  }
0x37: {  	[smem:$0x3FB5] =	sst s10  }
0x38: {  	s10 =	sld [smem:$0x3FB6]  }
0x39: {  	_ = 	snop;
	(pc) =	sbr.ind lr, $3  }
0x3a: {  	_ = 	snop  }
0x3b: {  	_ = 	snop  }
0x3c: {  	p2 =	seq.s32 s10, $0x1;
	s10 =	sld [smem:$0x3FB5]  }
0x3d: {  	_ =	shalt  }
0x3e: {  	_ =	shalt  }
0x3f: {  	_ =	shalt  }
0x40: {  	_ =	shalt  }
0x41: {  	_ =	shalt  }
0x42: {  	_ =	shalt  }
0x43: {  	_ =	shalt  }
0x44: {  	_ =	shalt  }
0x45: {  	_ =	shalt  }
0x46: {  	_ =	shalt  }
0x47: {  	_ =	shalt  }
0x48: {  	_ =	shalt  }
0x49: {  	_ =	shalt  }
0x4a: {  	_ =	shalt  }
0x4b: {  	_ =	shalt  }
0x4c: {  	_ =	shalt  }
0x4d: {  	_ =	shalt  }
0x4e: {  	_ =	shalt  }
0x4f: {  	_ =	shalt  }
0x50: {  	_ =	shalt  }
0x51: {  	_ =	shalt  }
0x52: {  	_ =	shalt  }
0x53: {  	_ =	shalt  }
0x54: {  	_ =	shalt  }
0x55: {  	_ =	shalt  }
0x56: {  	_ =	shalt  }
0x57: {  	_ =	shalt  }
0x58: {  	_ =	shalt  }
0x59: {  	_ =	shalt  }
0x5a: {  	_ =	shalt  }
0x5b: {  	_ =	shalt  }
0x5c: {  	_ =	shalt  }
0x5d: {  	_ =	shalt  }
0x5e: {  	_ =	shalt  }
0x5f: {  	_ =	shalt  }
0x60: {  	_ =	shalt  }
0x61: {  	_ =	shalt  }
0x62: {  	_ =	shalt  }
0x63: {  	_ =	shalt  }
0x64: {  	_ =	shalt  }
0x65: {  	_ =	shalt  }
0x66: {  	_ =	shalt  }
0x67: {  	_ =	shalt  }
0x68: {  	_ =	shalt  }
0x69: {  	_ =	shalt  }
0x6a: {  	_ =	shalt  }
0x6b: {  	_ =	shalt  }
0x6c: {  	_ =	shalt  }
0x6d: {  	_ =	shalt  }
0x6e: {  	_ =	shalt  }
0x6f: {  	_ =	shalt  }
0x70: {  	_ =	shalt  }
0x71: {  	_ =	shalt  }
0x72: {  	_ =	shalt  }
0x73: {  	_ =	shalt  }
0x74: {  	_ =	shalt  }
0x75: {  	_ =	shalt  }
0x76: {  	_ =	shalt  }
0x77: {  	_ =	shalt  }
0x78: {  	_ =	shalt  }
0x79: {  	_ =	shalt  }
0x7a: {  	_ =	shalt  }
0x7b: {  	_ =	shalt  }
0x7c: {  	_ =	shalt  }
0x7d: {  	_ =	shalt  }
0x7e: {  	_ =	shalt  }
0x7f: {  	_ =	shalt  }
0x80: {  	_ =	shalt  }
0x81: {  	_ =	shalt  }
0x82: {  	_ =	shalt  }
0x83: {  	_ =	shalt  }
0x84: {  	_ =	shalt  }
0x85: {  	_ =	shalt  }
0x86: {  	_ =	shalt  }
0x87: {  	_ =	shalt  }
.Lfunc_end0:
.L_simem_size_0:
called_computation_lowered:
.L_overlay_start_0:
0x88: {  	s2 =	sld [smem:$0x3FD9]  }
0x89: {  	s3 =	sld [smem:$0x3FFE];
	_ =	sdelay $0x1  }
0x8a: {  	s1 =	srdreg.scid  }
0x8b: {  	s0 =	sand.u32 $0x1, s1  }
0x8c: {  	s17 =	sshll.u32 s0, $0xA;
	s2 =	sadd.s32 s3, s2  }
0x8d: {  	s2 =	sadd.s32 s2, s17  }
0x8e: {  	[smem:$0x3FC1] =	sst s2  }
0x8f: {  	_ = 	snop  }
0x90: {  	s2 =	sld [smem:$0x3FC7]  }
0x91: {  	s18 =	sld [smem:$0x3FD0];
	(tm) =	ssettm $0x1  }
0x92: {  	s4 =	sld [smem:$0x3FFB];
	_ =	sdelay $0x3  }
0x93: {  	_ =	strace s4  }
0x94: {  	s4 =	sld [smem:$0x3FFC];
	_ =	sdelay $0x3  }
0x95: {  	_ =	strace s4  }
0x96: {  	s4 =	sld [smem:$0x3FFD];
	_ =	sdelay $0x3  }
0x97: {  	_ =	strace s4  }
0x98: {  	_ =	strace $0x8FFFFFFF  }
0x99: {  	s19 =	sld [smem:$0x3FDB];
	_ =	sdelay $0x1  }
0x9a: {  	s5 =	simm.s32 $_scs_section_size  }
0x9b: {  	s6 =	simm.s32 $_size__tile_overlayer_lowered;
	s7 =	simm.s32 $_tile_overlayer_lowered  }
0x9c: {  	s22 =	simm.s32 $0x1BFF;
	s21 =	sshll.u32 s7, $0x1;
	s4 =	sadd.s32 s5, s19  }
0x9d: {  	s8 =	simm.s32 $0x0;
	s20 =	sshll.u32 s6, $0x1;
	s6 =	sadd.s32 s21, s4  }
0x9e: {  	[timem:s8], [sflag:s22] =	dma.local [hbm:s6], s20  }
0x9f: {  	_ =	swait.ge [sflag:s22], s20  }
0xa0: {  	s5 =	ssub.s32 $0x0, s20;
	[sflag:s22] =	ssyncset.done $0x0  }
0xa1: {  	[sflag:s22] =	ssyncadd.s32 s5;
	_ =	sdelay $0x1  }
0xa2: {  	s23 =	simm.s32 $0x1B8B  }
0xa3: {  	_ =	swait.ge [sflag:s23], $0x1  }
0xa4: {  	[sflag:s23] =	ssyncset.done $0x0  }
0xa5: {  	s25 =	simm.s32 $0x1B8E;
	s24 =	sld [smem:$0x3FFE];
	[sflag:s23] =	ssyncadd.s32 $0xFFFFFFFF  }
0xa6: {  	s26 =	simm.s32 $execute0_lowered;
	[smem:$0x3FD2] =	sst s25  }
0xa7: {  	s6 =	sshll.u32 s26, $0x1;
	_ =	strace $0x80000046;
	[dreg:$0x1] =	wrdreg $0xFFFFFFFF  }
0xa8: {  	s28 =	simm.s32 $_size_execute0_lowered;
	s4 =	sadd.s32 s4, s6;
	[dreg:$0x0] =	wrdreg $0x0  }
0xa9: {  	s6 =	sshll.u32 s28, $0x1;
	[dreg:$0x2] =	wrdreg s4  }
0xaa: {  	[dreg:$0x3] =	wrdreg s6  }
0xab: {  	[dreg:$0x4] =	wrdreg $0xC0  }
0xac: {  	_ =	task [dreg:s8], $0x5FFFF  }
0xad: {  	[dreg:$0x1] =	wrdreg $0xFFFFFFFF  }
0xae: {  	[dreg:$0x0] =	wrdreg $0x60  }
0xaf: {  	[dreg:$0x2] =	wrdreg s24  }
0xb0: {  	[dreg:$0x3] =	wrdreg s2  }
0xb1: {  	[dreg:$0x4] =	wrdreg s18  }
0xb2: {  	[dreg:$0x5] =	wrdreg $0x9  }
0xb3: {  	_ =	task.clear_ibuf [dreg:s8], $0x6FFFF;
	_ =	strace $0x90000046  }
0xb4: {  	s29 =	simm.s32 $0x9;
	_ =	strace $0x80000048  }
0xb5: {  	_ =	swait.ge [sflag:s29], $0x1  }
0xb6: {  	[sflag:s29] =	ssyncadd.s32 $0xFFFFFFFF  }
0xb7: {  	_ =	strace $0x90000048  }
0xb8: {  	_ =	sfence  }
0xb9: {  	s30 =	sld [smem:$0x0];
	_ =	sdelay $0x2  }
0xba: {  	s31 =	sshll.u32 s1, $0xD;
	s1 =	sshrl.u32 s1, $0x2  }
0xbb: {  	s3 =	sand.u32 $0x4000, s31;
	s1 =	sadd.s32 s1, s30  }
0xbc: {  	s0 =	sor.u32 s3, s0;
	s1 =	sshll.u32 s1, $0x11  }
0xbd: {  	s0 =	sor.u32 s1, s0  }
0xbe: {  	s0 =	sadd.s32 $0x8F2B, s0  }
0xbf: {  	[sflag:s0] =	ssyncadd.remote.s32 $0x1  }
0xc0: {  	_ =	sfence.sel $0xFFFF  }
0xc1: {  	[dreg:$0x0] =	wrdreg $0xFFFFFFFF;
	(pc) =	sbr.abs _section_cstart, $3  }
0xc2: {  	[dreg:$0x1] =	wrdreg $0xFFFFFFFF  }
0xc3: {  	_ =	task.clear_ibuf [dreg:s8], $0x2FFFF;
	_ =	strace $0x9FFFFFFF  }
0xc4: {  	(tm) =	ssettm $0x7FFFFFFF  }
0xc5: {  	_ =	shalt  }
tec
execute0_lowered:
.L_overlay_start_1:
0x0: {  	(tag) =	ssettag $0x1  }
0x1: {  	s1 =	srdreg.scid  }
0x2: {  	s4 =	rddreg [dreg:$0x0];
	s0 =	stileid.u32;
	s1 =	sand.u32 $0x1, s1  }
0x3: {  	s2 =	rddreg [dreg:$0x1];
	s3 =	sshll.u32 s0, $0x5;
	s5 =	sshll.u32 s1, $0x4  }
0x4: {  	s6 =	rddreg [dreg:$0x2];
	s5 =	sor.u32 s5, s3;
	s3 =	simm.s32 $0x0  }
0x5: {  	s15 =	simm.s32 $0x880;
	[smem:$0x7FF] =	sst s3  }
0x6: {  	s16 =	simm.s32 $0x1080;
	_ =	strace $0x80000047;
	[dreg:$0x8] =	wrdreg s15  }
0x7: {  	s17 =	simm.s32 $0x1880;
	[dreg:$0x9] =	wrdreg s16  }
0x8: {  	s18 =	simm.s32 $0x2080;
	[dreg:$0xa] =	wrdreg s17  }
0x9: {  	s19 =	simm.s32 $0x2880;
	[dreg:$0xb] =	wrdreg s18  }
0xa: {  	s20 =	simm.s32 $0x3080;
	[dreg:$0xc] =	wrdreg s19  }
0xb: {  	s21 =	simm.s32 $0x3880;
	[dreg:$0xd] =	wrdreg s20  }
0xc: {  	s22 =	simm.s32 $0x4080;
	[dreg:$0xe] =	wrdreg s21  }
0xd: {  	s23 =	simm.s32 $0x4880;
	[dreg:$0xf] =	wrdreg s22  }
0xe: {  	s24 =	simm.s32 $0x5080;
	[dreg:$0x10] =	wrdreg s23  }
0xf: {  	s25 =	simm.s32 $0x5880;
	s26 =	simm.s32 $0x6880;
	[dreg:$0x11] =	wrdreg s24  }
0x10: {  	s9 =	simm.s32 $0x9080;
	s10 =	simm.s32 $0x9880;
	[dreg:$0x12] =	wrdreg s25  }
0x11: {  	s28 =	simm.s32 $0x4;
	s0 =	simm.s32 $0x7080;
	[dreg:$0x13] =	wrdreg s26  }
0x12: {  	s29 =	simm.s32 $0x5;
	s30 =	simm.s32 $0x6;
	[dreg:$0x14] =	wrdreg s0  }
0x13: {  	s7 =	smul.u32 $0x300, s5;
	s4 =	sadd.s32 s5, s4;
	[dreg:$0x18] =	wrdreg s9  }
0x14: {  	s8 =	smul.u32 $0x1800, s5;
	s5 =	sadd.s32 $0x1800, s4;
	[dreg:$0x19] =	wrdreg s10  }
0x15: {  	s31 =	simm.s32 $0x7;
	s15 =	simm.s32 $0xC880;
	[dreg:$0x4] =	wrdreg s5  }
0x16: {  	s1 =	ssub.s32 $0x2, s1;
	s16 =	simm.s32 $0xD080;
	[dreg:$0x1e] =	wrdreg s15  }
0x17: {  	s17 =	sshrl.u32 s1, $0x1;
	s18 =	simm.s32 $0xD880;
	[dreg:$0x1f] =	wrdreg s16  }
0x18: {  	s19 =	simm.s32 $0xE080;
	s20 =	simm.s32 $0xE880;
	[smem:$0x7F5] =	sst s18  }
0x19: {  	s21 =	simm.s32 $0xF080;
	s22 =	simm.s32 $0xF880;
	[smem:$0x7F6] =	sst s19  }
0x1a: {  	s23 =	simm.s32 $0x10080;
	s9 =	simm.s32 $0x80;
	[smem:$0x7F7] =	sst s20  }
0x1b: {  	s24 =	simm.s32 $0x10880;
	s10 =	simm.s32 $0x6080;
	[smem:$0x7F8] =	sst s21  }
0x1c: {  	s25 =	simm.s32 $0x11080;
	s26 =	simm.s32 $0x11880;
	[smem:$0x7F9] =	sst s22  }
0x1d: {  	s4 =	sadd.s32 s6, s7;
	s11 =	sshrl.u32 s8, $0x3;
	[smem:$0x7FA] =	sst s23  }
0x1e: {  	s7 =	simm.s32 $0x8080;
	s8 =	simm.s32 $0x8880;
	[smem:$0x7FB] =	sst s24  }
0x1f: {  	s1 =	ssub.s32 s1, s17;
	s5 =	sadd.s32 $0x100, s2;
	[smem:$0x7FC] =	sst s25  }
0x20: {  	[smem:$0x7FD] =	sst s26;
	s15 =	simm.s32 $0x13880;
	s16 =	simm.s32 $0x14080  }
0x21: {  	s17 =	simm.s32 $0x14880;
	s18 =	simm.s32 $0x15080;
	s19 =	simm.s32 $0x15880  }
0x22: {  	s20 =	simm.s32 $0x16080;
	s21 =	simm.s32 $0x16880;
	s22 =	simm.s32 $0x17080  }
0x23: {  	s23 =	simm.s32 $0x17880;
	s24 =	simm.s32 $0x1;
	[dreg:$0x16] =	wrdreg s7  }
0x24: {  	s25 =	simm.s32 $0x2;
	s12 =	sadd.s32 $0xC00, s4;
	[dreg:$0x17] =	wrdreg s8  }
0x25: {  	s6 =	sadd.s32 s6, s11;
	s11 =	simm.s32 $0xA080;
	[dreg:$0x5] =	wrdreg s12  }
0x26: {  	s26 =	simm.s32 $0x3;
	s13 =	sadd.s32 $0x1800, s6;
	[dreg:$0x1a] =	wrdreg s11  }
0x27: {  	s7 =	smax.u32 s1, $0x1;
	s14 =	sadd.s32 $0x2400, s6;
	[dreg:$0x6] =	wrdreg s13  }
0x28: {  	s8 =	simm.s32 $0x9;
	s6 =	simm.s32 $0x7880;
	[dreg:$0x7] =	wrdreg s14  }
0x29: {  	s1 =	simm.s32 $0x8;
	s12 =	simm.s32 $0xA880;
	[dreg:$0x15] =	wrdreg s6  }
0x2a: {  	v2 =	vlaneseq.u32;
	s11 =	simm.s32 $0xC080;
	[dreg:$0x1b] =	wrdreg s12;
	s13 =	simm.s32 $0xB080  }
0x2b: {  	vm0 =	vmmov $0xffff;
	v1 =	vshrl.u32 v2, $0x3;
	s14 =	simm.s32 $0xB880;
	s6 =	sadd.s32 $0x200, s2;
	[dreg:$0x1c] =	wrdreg s13  }
0x2c: {  	v0 =	vand.u32 $0x7, v2;
	v2 =	vor.u32 $0x8, v2;
	v1 =	vmul.u32 $0x8, v1;
	s12 =	simm.s32 $0x12080;
	[dreg:$0x1d] =	wrdreg s14;
	s14 =	simm.s32 $0x13080  }
.LBB2_1:
0x2d: {  	s0 =	rddreg [dreg:$0x4]  }
0x2e: {  	[tilespmem:s3], [sflag:$0x9] =	stream.linear.gather [hbm4b:s0+s3], $0x80, $0x38;
	[tilespmem:$0x18080] =	vst v63  }
0x2f: {  	_ =	swait.ge [sflag:s8], $0x80  }
0x30: {  	[sflag:s8] =	ssyncset.done $0x0  }
0x31: {  	[sflag:s8] =	ssyncadd.s32 $0xFFFFFF80  }
0x32: {  	v3 =	vld [tilespmem:$0x0];
	_ =	sdelay $0x4  }
0x33: {  	v4 =	vshrl.u32 v3, $0x3  }
0x34: {  	v4 =	vmul.u32 $0x30, v4  }
0x35: {  	v3 =	vand.u32 $0x7, v3  }
0x36: {  	v3 =	vor.u32 v3, v4  }
0x37: {  	v4 =	vperm.xlane v3, v0;
	_ =	sdelay $0x1  }
0x38: {  	v4 =	vadd.s32 v1, v4;
	_ =	sdelay $0x3  }
0x39: {  	v3 =	vperm.xlane v3, v2  }
0x3a: {  	[tilespmem:s9], [sflag:$0x1] =	stream.indirect_vreg.gather [hbm4b:s2+s3], $0x80, v4, vm0, $0xb8;
	[tilespmem:$0x18080] =	vst v63  }
0x3b: {  	s0 =	rddreg [dreg:$0x8];
	v3 =	vadd.s32 v1, v3  }
0x3c: {  	[tilespmem:s0], [sflag:$0x1] =	stream.indirect_vreg.gather [hbm4b:s5+s3], $0x80, v4, vm0, $0xb8;
	[tilespmem:$0x18080] =	vst v63  }
0x3d: {  	s13 =	rddreg [dreg:$0x9]  }
0x3e: {  	[tilespmem:s13], [sflag:$0x1] =	stream.indirect_vreg.gather [hbm4b:s6+s3], $0x80, v4, vm0, $0xb8;
	[tilespmem:$0x18080] =	vst v63  }
0x3f: {  	s0 =	rddreg [dreg:$0xa]  }
0x40: {  	[tilespmem:s0], [sflag:$0x1] =	stream.indirect_vreg.gather [hbm4b:s2+s3], $0x80, v3, vm0, $0xb8;
	[tilespmem:$0x18080] =	vst v63  }
0x41: {  	s13 =	rddreg [dreg:$0xb]  }
0x42: {  	[tilespmem:s13], [sflag:$0x1] =	stream.indirect_vreg.gather [hbm4b:s5+s3], $0x80, v3, vm0, $0xb8;
	[tilespmem:$0x18080] =	vst v63  }
0x43: {  	s0 =	rddreg [dreg:$0xc]  }
0x44: {  	[tilespmem:s0], [sflag:$0x1] =	stream.indirect_vreg.gather [hbm4b:s6+s3], $0x80, v3, vm0, $0xb8;
	[tilespmem:$0x18080] =	vst v63  }
0x45: {  	v3 =	vld [tilespmem:$0x10];
	_ =	sdelay $0x4  }
0x46: {  	v57 =	vshrl.u32 v3, $0x3  }
0x47: {  	v4 =	vmul.u32 $0x30, v57  }
0x48: {  	v3 =	vand.u32 $0x7, v3  }
0x49: {  	v3 =	vor.u32 v3, v4  }
0x4a: {  	v4 =	vperm.xlane v3, v0;
	_ =	sdelay $0x1  }
0x4b: {  	v4 =	vadd.s32 v1, v4;
	_ =	sdelay $0x3  }
0x4c: {  	s0 =	rddreg [dreg:$0xd];
	v3 =	vperm.xlane v3, v2  }
0x4d: {  	[tilespmem:s0], [sflag:$0x1] =	stream.indirect_vreg.gather [hbm4b:s2+s3], $0x80, v4, vm0, $0xb8;
	[tilespmem:$0x18080] =	vst v63  }
0x4e: {  	s13 =	rddreg [dreg:$0xe];
	v3 =	vadd.s32 v1, v3  }
0x4f: {  	[tilespmem:s13], [sflag:$0x1] =	stream.indirect_vreg.gather [hbm4b:s5+s3], $0x80, v4, vm0, $0xb8;
	[tilespmem:$0x18080] =	vst v63  }
0x50: {  	s0 =	rddreg [dreg:$0xf]  }
0x51: {  	[tilespmem:s0], [sflag:$0x1] =	stream.indirect_vreg.gather [hbm4b:s6+s3], $0x80, v4, vm0, $0xb8;
	[tilespmem:$0x18080] =	vst v63  }
0x52: {  	s13 =	rddreg [dreg:$0x10]  }
0x53: {  	[tilespmem:s13], [sflag:$0x1] =	stream.indirect_vreg.gather [hbm4b:s2+s3], $0x80, v3, vm0, $0xb8;
	[tilespmem:$0x18080] =	vst v63  }
0x54: {  	s0 =	rddreg [dreg:$0x11]  }
0x55: {  	[tilespmem:s0], [sflag:$0x1] =	stream.indirect_vreg.gather [hbm4b:s5+s3], $0x80, v3, vm0, $0xb8;
	[tilespmem:$0x18080] =	vst v63  }
0x56: {  	s13 =	rddreg [dreg:$0x12]  }
0x57: {  	[tilespmem:s13], [sflag:$0x1] =	stream.indirect_vreg.gather [hbm4b:s6+s3], $0x80, v3, vm0, $0xb8;
	[tilespmem:$0x18080] =	vst v63  }
0x58: {  	v3 =	vld [tilespmem:$0x20];
	_ =	sdelay $0x4  }
0x59: {  	v58 =	vshrl.u32 v3, $0x3  }
0x5a: {  	v4 =	vmul.u32 $0x30, v58  }
0x5b: {  	v3 =	vand.u32 $0x7, v3  }
0x5c: {  	v3 =	vor.u32 v3, v4  }
0x5d: {  	v4 =	vperm.xlane v3, v0;
	_ =	sdelay $0x1  }
0x5e: {  	v4 =	vadd.s32 v1, v4;
	_ =	sdelay $0x3  }
0x5f: {  	v3 =	vperm.xlane v3, v2  }
0x60: {  	[tilespmem:s10], [sflag:$0x2] =	stream.indirect_vreg.gather [hbm4b:s2+s3], $0x80, v4, vm0, $0xb8;
	[tilespmem:$0x18080] =	vst v63  }
0x61: {  	s0 =	rddreg [dreg:$0x13];
	v3 =	vadd.s32 v1, v3  }
0x62: {  	[tilespmem:s0], [sflag:$0x2] =	stream.indirect_vreg.gather [hbm4b:s5+s3], $0x80, v4, vm0, $0xb8;
	[tilespmem:$0x18080] =	vst v63  }
0x63: {  	s13 =	rddreg [dreg:$0x14]  }
0x64: {  	[tilespmem:s13], [sflag:$0x2] =	stream.indirect_vreg.gather [hbm4b:s6+s3], $0x80, v4, vm0, $0xb8;
	[tilespmem:$0x18080] =	vst v63  }
0x65: {  	s0 =	rddreg [dreg:$0x15]  }
0x66: {  	[tilespmem:s0], [sflag:$0x2] =	stream.indirect_vreg.gather [hbm4b:s2+s3], $0x80, v3, vm0, $0xb8;
	[tilespmem:$0x18080] =	vst v63  }
0x67: {  	s13 =	rddreg [dreg:$0x16]  }
0x68: {  	[tilespmem:s13], [sflag:$0x2] =	stream.indirect_vreg.gather [hbm4b:s5+s3], $0x80, v3, vm0, $0xb8;
	[tilespmem:$0x18080] =	vst v63  }
0x69: {  	s0 =	rddreg [dreg:$0x17]  }
0x6a: {  	[tilespmem:s0], [sflag:$0x2] =	stream.indirect_vreg.gather [hbm4b:s6+s3], $0x80, v3, vm0, $0xb8;
	[tilespmem:$0x18080] =	vst v63  }
0x6b: {  	v3 =	vld [tilespmem:$0x30];
	_ =	sdelay $0x4  }
0x6c: {  	v59 =	vshrl.u32 v3, $0x3  }
0x6d: {  	v4 =	vmul.u32 $0x30, v59  }
0x6e: {  	v3 =	vand.u32 $0x7, v3  }
0x6f: {  	v3 =	vor.u32 v3, v4  }
0x70: {  	v4 =	vperm.xlane v3, v0;
	_ =	sdelay $0x1  }
0x71: {  	v4 =	vadd.s32 v1, v4;
	_ =	sdelay $0x3  }
0x72: {  	s0 =	rddreg [dreg:$0x18];
	v3 =	vperm.xlane v3, v2  }
0x73: {  	[tilespmem:s0], [sflag:$0x2] =	stream.indirect_vreg.gather [hbm4b:s2+s3], $0x80, v4, vm0, $0xb8;
	[tilespmem:$0x18080] =	vst v63  }
0x74: {  	s13 =	rddreg [dreg:$0x19];
	v3 =	vadd.s32 v1, v3  }
0x75: {  	[tilespmem:s13], [sflag:$0x2] =	stream.indirect_vreg.gather [hbm4b:s5+s3], $0x80, v4, vm0, $0xb8;
	[tilespmem:$0x18080] =	vst v63  }
0x76: {  	s0 =	rddreg [dreg:$0x1a]  }
0x77: {  	[tilespmem:s0], [sflag:$0x2] =	stream.indirect_vreg.gather [hbm4b:s6+s3], $0x80, v4, vm0, $0xb8;
	[tilespmem:$0x18080] =	vst v63  }
0x78: {  	s13 =	rddreg [dreg:$0x1b]  }
0x79: {  	[tilespmem:s13], [sflag:$0x2] =	stream.indirect_vreg.gather [hbm4b:s2+s3], $0x80, v3, vm0, $0xb8;
	[tilespmem:$0x18080] =	vst v63  }
0x7a: {  	s0 =	rddreg [dreg:$0x1c]  }
0x7b: {  	[tilespmem:s0], [sflag:$0x2] =	stream.indirect_vreg.gather [hbm4b:s5+s3], $0x80, v3, vm0, $0xb8;
	[tilespmem:$0x18080] =	vst v63  }
0x7c: {  	s13 =	rddreg [dreg:$0x1d]  }
0x7d: {  	[tilespmem:s13], [sflag:$0x2] =	stream.indirect_vreg.gather [hbm4b:s6+s3], $0x80, v3, vm0, $0xb8;
	[tilespmem:$0x18080] =	vst v63  }
0x7e: {  	v3 =	vld [tilespmem:$0x40];
	_ =	sdelay $0x4  }
0x7f: {  	v60 =	vshrl.u32 v3, $0x3  }
0x80: {  	v4 =	vmul.u32 $0x30, v60  }
0x81: {  	v3 =	vand.u32 $0x7, v3  }
0x82: {  	v3 =	vor.u32 v3, v4  }
0x83: {  	v4 =	vperm.xlane v3, v0;
	_ =	sdelay $0x1  }
0x84: {  	v4 =	vadd.s32 v1, v4;
	_ =	sdelay $0x3  }
0x85: {  	s0 =	rddreg [dreg:$0x1e];
	v3 =	vperm.xlane v3, v2  }
0x86: {  	[tilespmem:s11], [sflag:$0x3] =	stream.indirect_vreg.gather [hbm4b:s2+s3], $0x80, v4, vm0, $0xb8;
	[tilespmem:$0x18080] =	vst v63  }
0x87: {  	s13 =	rddreg [dreg:$0x1f];
	v3 =	vadd.s32 v1, v3  }
0x88: {  	[tilespmem:s0], [sflag:$0x3] =	stream.indirect_vreg.gather [hbm4b:s5+s3], $0x80, v4, vm0, $0xb8;
	[tilespmem:$0x18080] =	vst v63  }
0x89: {  	s0 =	sld [smem:$0x7F5]  }
0x8a: {  	[tilespmem:s13], [sflag:$0x3] =	stream.indirect_vreg.gather [hbm4b:s6+s3], $0x80, v4, vm0, $0xb8;
	[tilespmem:$0x18080] =	vst v63  }
0x8b: {  	s13 =	sld [smem:$0x7F6]  }
0x8c: {  	[tilespmem:s0], [sflag:$0x3] =	stream.indirect_vreg.gather [hbm4b:s2+s3], $0x80, v3, vm0, $0xb8;
	[tilespmem:$0x18080] =	vst v63  }
0x8d: {  	s0 =	sld [smem:$0x7F7]  }
0x8e: {  	[tilespmem:s13], [sflag:$0x3] =	stream.indirect_vreg.gather [hbm4b:s5+s3], $0x80, v3, vm0, $0xb8;
	[tilespmem:$0x18080] =	vst v63  }
0x8f: {  	_ = 	snop  }
0x90: {  	[tilespmem:s0], [sflag:$0x3] =	stream.indirect_vreg.gather [hbm4b:s6+s3], $0x80, v3, vm0, $0xb8;
	[tilespmem:$0x18080] =	vst v63  }
0x91: {  	v3 =	vld [tilespmem:$0x50];
	_ =	sdelay $0x4  }
0x92: {  	v61 =	vshrl.u32 v3, $0x3  }
0x93: {  	v4 =	vmul.u32 $0x30, v61  }
0x94: {  	v3 =	vand.u32 $0x7, v3  }
0x95: {  	v3 =	vor.u32 v3, v4  }
0x96: {  	v4 =	vperm.xlane v3, v0;
	_ =	sdelay $0x1  }
0x97: {  	v4 =	vadd.s32 v1, v4;
	_ =	sdelay $0x1  }
0x98: {  	s0 =	sld [smem:$0x7F8];
	_ =	sdelay $0x1  }
0x99: {  	s13 =	sld [smem:$0x7F9];
	v3 =	vperm.xlane v3, v2  }
0x9a: {  	[tilespmem:s0], [sflag:$0x3] =	stream.indirect_vreg.gather [hbm4b:s2+s3], $0x80, v4, vm0, $0xb8;
	[tilespmem:$0x18080] =	vst v63  }
0x9b: {  	v3 =	vadd.s32 v1, v3;
	s0 =	sld [smem:$0x7FA]  }
0x9c: {  	[tilespmem:s13], [sflag:$0x3] =	stream.indirect_vreg.gather [hbm4b:s5+s3], $0x80, v4, vm0, $0xb8;
	[tilespmem:$0x18080] =	vst v63  }
0x9d: {  	s13 =	sld [smem:$0x7FB]  }
0x9e: {  	[tilespmem:s0], [sflag:$0x3] =	stream.indirect_vreg.gather [hbm4b:s6+s3], $0x80, v4, vm0, $0xb8;
	[tilespmem:$0x18080] =	vst v63  }
0x9f: {  	s0 =	sld [smem:$0x7FC]  }
0xa0: {  	[tilespmem:s13], [sflag:$0x3] =	stream.indirect_vreg.gather [hbm4b:s2+s3], $0x80, v3, vm0, $0xb8;
	[tilespmem:$0x18080] =	vst v63  }
0xa1: {  	s13 =	sld [smem:$0x7FD]  }
0xa2: {  	[tilespmem:s0], [sflag:$0x3] =	stream.indirect_vreg.gather [hbm4b:s5+s3], $0x80, v3, vm0, $0xb8;
	[tilespmem:$0x18080] =	vst v63  }
0xa3: {  	_ = 	snop  }
0xa4: {  	[tilespmem:s13], [sflag:$0x3] =	stream.indirect_vreg.gather [hbm4b:s6+s3], $0x80, v3, vm0, $0xb8;
	[tilespmem:$0x18080] =	vst v63  }
0xa5: {  	v3 =	vld [tilespmem:$0x60];
	_ =	sdelay $0x4  }
0xa6: {  	v62 =	vshrl.u32 v3, $0x3  }
0xa7: {  	v4 =	vmul.u32 $0x30, v62  }
0xa8: {  	v3 =	vand.u32 $0x7, v3  }
0xa9: {  	v3 =	vor.u32 v3, v4  }
0xaa: {  	v4 =	vperm.xlane v3, v0;
	_ =	sdelay $0x1  }
0xab: {  	v4 =	vadd.s32 v1, v4;
	_ =	sdelay $0x3  }
0xac: {  	v3 =	vperm.xlane v3, v2  }
0xad: {  	[tilespmem:s12], [sflag:$0x4] =	stream.indirect_vreg.gather [hbm4b:s2+s3], $0x80, v4, vm0, $0xb8;
	[tilespmem:$0x18080] =	vst v63  }
0xae: {  	s13 =	simm.s32 $0x12880;
	v3 =	vadd.s32 v1, v3  }
0xaf: {  	[tilespmem:s13], [sflag:$0x4] =	stream.indirect_vreg.gather [hbm4b:s5+s3], $0x80, v4, vm0, $0xb8;
	[tilespmem:$0x18080] =	vst v63  }
0xb0: {  	_ = 	snop  }
0xb1: {  	[tilespmem:s14], [sflag:$0x4] =	stream.indirect_vreg.gather [hbm4b:s6+s3], $0x80, v4, vm0, $0xb8;
	[tilespmem:$0x18080] =	vst v63  }
0xb2: {  	_ = 	snop  }
0xb3: {  	[tilespmem:s15], [sflag:$0x4] =	stream.indirect_vreg.gather [hbm4b:s2+s3], $0x80, v3, vm0, $0xb8;
	[tilespmem:$0x18080] =	vst v63  }
0xb4: {  	_ = 	snop  }
0xb5: {  	[tilespmem:s16], [sflag:$0x4] =	stream.indirect_vreg.gather [hbm4b:s5+s3], $0x80, v3, vm0, $0xb8;
	[tilespmem:$0x18080] =	vst v63  }
0xb6: {  	_ = 	snop  }
0xb7: {  	[tilespmem:s17], [sflag:$0x4] =	stream.indirect_vreg.gather [hbm4b:s6+s3], $0x80, v3, vm0, $0xb8;
	[tilespmem:$0x18080] =	vst v63  }
0xb8: {  	v3 =	vld [tilespmem:$0x70];
	_ =	sdelay $0x4  }
0xb9: {  	v63 =	vshrl.u32 v3, $0x3  }
0xba: {  	v4 =	vmul.u32 $0x30, v63  }
0xbb: {  	v3 =	vand.u32 $0x7, v3  }
0xbc: {  	v3 =	vor.u32 v3, v4  }
0xbd: {  	v4 =	vperm.xlane v3, v0;
	_ =	sdelay $0x1  }
0xbe: {  	v4 =	vadd.s32 v1, v4;
	_ =	sdelay $0x3  }
0xbf: {  	v3 =	vperm.xlane v3, v2  }
0xc0: {  	[tilespmem:s18], [sflag:$0x4] =	stream.indirect_vreg.gather [hbm4b:s2+s3], $0x80, v4, vm0, $0xb8;
	[tilespmem:$0x18080] =	vst v63  }
0xc1: {  	v3 =	vadd.s32 v1, v3  }
0xc2: {  	[tilespmem:s19], [sflag:$0x4] =	stream.indirect_vreg.gather [hbm4b:s5+s3], $0x80, v4, vm0, $0xb8;
	[tilespmem:$0x18080] =	vst v63  }
0xc3: {  	_ = 	snop  }
0xc4: {  	[tilespmem:s20], [sflag:$0x4] =	stream.indirect_vreg.gather [hbm4b:s6+s3], $0x80, v4, vm0, $0xb8;
	[tilespmem:$0x18080] =	vst v63  }
0xc5: {  	_ = 	snop  }
0xc6: {  	[tilespmem:s21], [sflag:$0x4] =	stream.indirect_vreg.gather [hbm4b:s2+s3], $0x80, v3, vm0, $0xb8;
	[tilespmem:$0x18080] =	vst v63  }
0xc7: {  	_ = 	snop  }
0xc8: {  	[tilespmem:s22], [sflag:$0x4] =	stream.indirect_vreg.gather [hbm4b:s5+s3], $0x80, v3, vm0, $0xb8;
	[tilespmem:$0x18080] =	vst v63  }
0xc9: {  	_ = 	snop  }
0xca: {  	[tilespmem:s23], [sflag:$0x4] =	stream.indirect_vreg.gather [hbm4b:s6+s3], $0x80, v3, vm0, $0xb8;
	[tilespmem:$0x18080] =	vst v63  }
0xcb: {  	_ =	swait.ge [sflag:s24], $0x6000  }
0xcc: {  	[sflag:s24] =	ssyncset.done $0x0  }
0xcd: {  	[sflag:s24] =	ssyncadd.s32 $0xFFFFA000  }
0xce: {  	[hbm4b:s4+s3] =	stream.linear.scatter [tilespmem:s9], [sflag:$0x5], $0x6000, $0x38;
	[tilespmem:$0x18080] =	vst v63  }
0xcf: {  	_ =	swait.ge [sflag:s25], $0x6000  }
0xd0: {  	[sflag:s25] =	ssyncset.done $0x0  }
0xd1: {  	s13 =	rddreg [dreg:$0x5];
	[sflag:s25] =	ssyncadd.s32 $0xFFFFA000  }
0xd2: {  	[hbm4b:s13+s3] =	stream.linear.scatter [tilespmem:s10], [sflag:$0x6], $0x6000, $0x38;
	[tilespmem:$0x18080] =	vst v63  }
0xd3: {  	_ =	swait.ge [sflag:s26], $0x6000  }
0xd4: {  	[sflag:s26] =	ssyncset.done $0x0  }
0xd5: {  	s13 =	rddreg [dreg:$0x6];
	[sflag:s26] =	ssyncadd.s32 $0xFFFFA000  }
0xd6: {  	[hbm4b:s13+s3] =	stream.linear.scatter [tilespmem:s11], [sflag:$0x7], $0x6000, $0x38;
	[tilespmem:$0x18080] =	vst v63  }
0xd7: {  	_ =	swait.ge [sflag:s28], $0x6000  }
0xd8: {  	[sflag:s28] =	ssyncset.done $0x0  }
0xd9: {  	s13 =	rddreg [dreg:$0x7];
	[sflag:s28] =	ssyncadd.s32 $0xFFFFA000  }
0xda: {  	[hbm4b:s13+s3] =	stream.linear.scatter [tilespmem:s12], [sflag:$0x8], $0x6000, $0x38;
	[tilespmem:$0x18080] =	vst v63  }
0xdb: {  	_ =	swait.ge [sflag:s29], $0x6000  }
0xdc: {  	[sflag:s29] =	ssyncset.done $0x0  }
0xdd: {  	[sflag:s29] =	ssyncadd.s32 $0xFFFFA000  }
0xde: {  	_ =	swait.ge [sflag:s30], $0x6000  }
0xdf: {  	[sflag:s30] =	ssyncset.done $0x0  }
0xe0: {  	[sflag:s30] =	ssyncadd.s32 $0xFFFFA000  }
0xe1: {  	p0 =	sne.s32 s7, $0x1;
	_ =	swait.ge [sflag:s31], $0x6000  }
.Ltmp0:
0xe2: {  	[sflag:s31] =	ssyncset.done $0x0;
	(pc) =	sbr.rel @p0 .LBB2_1-.Ltmp0, $4  }
0xe3: {  	[sflag:s31] =	ssyncadd.s32 $0xFFFFA000  }
0xe4: {  	_ =	swait.ge [sflag:s1], $0x6000  }
0xe5: {  	[sflag:s1] =	ssyncset.done $0x0  }
0xe6: {  	s7 =	sadd.s32 $0xFFFFFFFF, s7;
	[sflag:s1] =	ssyncadd.s32 $0xFFFFA000  }
0xe7: {  	_ =	sfence.sel $0x180000  }
0xe8: {  	[bflag:$0x0] =	sbarrier.arrive $0xFFFF  }
0xe9: {  	_ =	strace $0x90000047  }
0xea: {  	s0 =	stileid.u32;
	[bflag:$0x2] =	sbarrier.arrive $0xFFFF  }
0xeb: {  	p0 =	sne.s32 s0, $0x0;
	s0 =	rddreg [dreg:$0x3]  }
0xec: {  	s0 =	sadd.s32 @!p0 $0x100000, s0  }
0xed: {  	[sflag:s0] =	ssyncadd.tile.s32 @!p0 $0x1;
	_ =	shalt  }
.Lfunc_end2:
_tile_overlayer_lowered:
.L_overlay_start_2:
0xee: {  	(tag) =	ssettag $0x2  }
0xef: {  	s0 =	rddreg [dreg:$0x0];
	s2 =	stileid.u32  }
0xf0: {  	s1 =	rddreg [dreg:$0x1];
	p0 =	sne.s32 s2, $0x0  }
0xf1: {  	s3 =	rddreg [dreg:$0x2];
	[bflag:$0x3] =	sbarrier.arrive $0xFFFF;
	s2 =	simm.s32 @!p0 $0x1C09  }
0xf2: {  	[timem:s3], [sflag:s2] =	dma.local @!p0 [hbm:s0], s1  }
0xf3: {  	s0 =	simm.s32 @!p0 $0x9  }
0xf4: {  	_ =	swait.ge @!p0 [sflag:s0], s1  }
0xf5: {  	s1 =	ssub.s32 @!p0 $0x0, s1;
	[sflag:s0] =	ssyncset.done @!p0 $0x0  }
0xf6: {  	[sflag:s0] =	ssyncadd.s32 @!p0 s1  }
0xf7: {  	[bflag:$0x3] =	sbarrier.arrive $0xFFFF  }
0xf8: {  	_ =	shalt  }

// kernel: kernel.9.cloned.1.call-start
scs
__scs_entry_jumppad:
0x0: {  	(pc) =	sbr.rel $0x88, $3  }
0x1: {  	(tag) =	ssettag $0x0;
	lr =	simm.s32 $0x1  }
0x2: {  	[smem:$0x3F9A] =	sst lr;
	_ =	strace $0xD0000000  }
0x3: {  	_ = 	snop  }
0x4: {  	_ = 	snop  }
0x5: {  	_ = 	snop  }
0x6: {  	_ = 	snop  }
0x7: {  	_ = 	snop  }
__scs_overlays_trampoline_lowered:
0x8: {  	[smem:$0x3FA9] =	sst s0  }
0x9: {  	[smem:$0x3FAA] =	sst s1  }
0xa: {  	[smem:$0x3FAB] =	sst s2  }
0xb: {  	[smem:$0x3FAC] =	sst s3  }
0xc: {  	[smem:$0x3FAD] =	sst s4  }
0xd: {  	[smem:$0x3FAE] =	sst s5  }
0xe: {  	[smem:$0x3FAF] =	sst s6  }
0xf: {  	[smem:$0x3FB0] =	sst s7  }
0x10: {  	[smem:$0x3FB1] =	sst s8  }
0x11: {  	[smem:$0x3FB2] =	sst s9;
	s0 =	simm.s32 @!p0 $0x0  }
0x12: {  	s1 =	sld [smem:$0x3F98];
	s0 =	simm.s32 @p0 $0x1  }
0x13: {  	[smem:$0x3FB3] =	sst s0;
	s0 =	simm.s32 @!p1 $0x0  }
0x14: {  	s2 =	sld [smem:$0x3F97];
	s0 =	simm.s32 @p1 $0x1  }
0x15: {  	[smem:$0x3FB4] =	sst s0;
	s0 =	simm.s32 @!p2 $0x0  }
0x16: {  	s3 =	sld [smem:$0x3FDB];
	s0 =	simm.s32 @p2 $0x1  }
0x17: {  	s4 =	simm.s32 $0x1BF5;
	[smem:$0x3FB6] =	sst s0  }
0x18: {  	s0 =	sld [smem:$0x3F99];
	_ =	swait.ge [sflag:s4], $0x0  }
0x19: {  	s7 =	sld [smem:$0x3F9A]  }
0x1a: {  	s8 =	sadd.s32 $0xFFFFE003, lr  }
0x1b: {  	s9 =	sadd.s32 $0xFFFFFEF7, lr;
	s5 =	simm.s32 $0xFFFFFFFF;
	p2 =	slt.u32 s8, $0xFFFFF086  }
0x1c: {  	p1 =	slt.u32 s9, $0xF7A;
	s5 =	simm.s32 @!p2 $0x0  }
0x1d: {  	s5 =	simm.s32 @p1 $0x1;
	p0 =	seq.s32 s7, s2  }
0x1e: {  	s7 =	smul.u32 @!p0 $0xF7A, s2;
	p2 =	seq.s32 @!p0 s5, $0x0  }
0x1f: {  	s9 =	smul.u32 $0xF7A, s1;
	s8 =	simm.s32 @!p0 $0x1BF5;
	p2 =	por !p2, p0  }
0x20: {  	[sflag:s8] =	ssyncset.s32 @!p0 $0xFFFFF086;
	s6 =	sadd.s32 @!p0 s3, s7;
	s7 =	simm.s32 @!p0 $0x108  }
0x21: {  	s3 =	sadd.s32 s3, s9;
	s6 =	sadd.s32 @!p0 $0x88, s6;
	s7 =	simm.s32 @p2 $0x1082  }
0x22: {  	[simem:s7], [sflag:s8] =	dma.local @!p0 [hbm:s6], $0xF7A  }
0x23: {  	s9 =	sor.u32 $0xD0000000, s2;
	s6 =	simm.s32 $0x108;
	_ =	swait.ge @!p0 [sflag:s8], $0x0  }
0x24: {  	s3 =	sadd.s32 $0x88, s3;
	s6 =	simm.s32 @!p1 $0x1082;
	[sflag:s4] =	ssyncset.s32 $0xFFFFF086  }
0x25: {  	[simem:s6], [sflag:s4] =	dma.local [hbm:s3], $0xF7A  }
0x26: {  	[smem:$0x3F9A] =	sst s1;
	(tag) =	ssettag s2;
	_ =	strace s9  }
0x27: {  	s1 =	sld [smem:$0x3FAA]  }
0x28: {  	s2 =	sld [smem:$0x3FAB]  }
0x29: {  	s4 =	sld [smem:$0x3FAD]  }
0x2a: {  	p0 =	seq.s32 s5, $0x0;
	s5 =	sld [smem:$0x3FAE]  }
0x2b: {  	s6 =	sld [smem:$0x3FAF]  }
0x2c: {  	s7 =	sld [smem:$0x3FB0]  }
0x2d: {  	s3 =	simm.s32 $0x108;
	s8 =	sld [smem:$0x3FB1]  }
0x2e: {  	s3 =	simm.s32 @!p0 $0x1082;
	s9 =	sld [smem:$0x3FB2]  }
0x2f: {  	lr =	sadd.s32 s0, s3;
	s0 =	sld [smem:$0x3FA9]  }
0x30: {  	s3 =	sld [smem:$0x3FAC]  }
0x31: {  	[smem:$0x3FB5] =	sst s10  }
0x32: {  	s10 =	sld [smem:$0x3FB3];
	_ =	sdelay $0x3  }
0x33: {  	p0 =	seq.s32 s10, $0x1;
	s10 =	sld [smem:$0x3FB5];
	_ =	sdelay $0x3  }
0x34: {  	[smem:$0x3FB5] =	sst s10  }
0x35: {  	s10 =	sld [smem:$0x3FB4];
	_ =	sdelay $0x3  }
0x36: {  	p1 =	seq.s32 s10, $0x1;
	s10 =	sld [smem:$0x3FB5];
	_ =	sdelay $0x3  }
0x37: {  	[smem:$0x3FB5] =	sst s10  }
0x38: {  	s10 =	sld [smem:$0x3FB6]  }
0x39: {  	_ = 	snop;
	(pc) =	sbr.ind lr, $3  }
0x3a: {  	_ = 	snop  }
0x3b: {  	_ = 	snop  }
0x3c: {  	p2 =	seq.s32 s10, $0x1;
	s10 =	sld [smem:$0x3FB5]  }
0x3d: {  	_ =	shalt  }
0x3e: {  	_ =	shalt  }
0x3f: {  	_ =	shalt  }
0x40: {  	_ =	shalt  }
0x41: {  	_ =	shalt  }
0x42: {  	_ =	shalt  }
0x43: {  	_ =	shalt  }
0x44: {  	_ =	shalt  }
0x45: {  	_ =	shalt  }
0x46: {  	_ =	shalt  }
0x47: {  	_ =	shalt  }
0x48: {  	_ =	shalt  }
0x49: {  	_ =	shalt  }
0x4a: {  	_ =	shalt  }
0x4b: {  	_ =	shalt  }
0x4c: {  	_ =	shalt  }
0x4d: {  	_ =	shalt  }
0x4e: {  	_ =	shalt  }
0x4f: {  	_ =	shalt  }
0x50: {  	_ =	shalt  }
0x51: {  	_ =	shalt  }
0x52: {  	_ =	shalt  }
0x53: {  	_ =	shalt  }
0x54: {  	_ =	shalt  }
0x55: {  	_ =	shalt  }
0x56: {  	_ =	shalt  }
0x57: {  	_ =	shalt  }
0x58: {  	_ =	shalt  }
0x59: {  	_ =	shalt  }
0x5a: {  	_ =	shalt  }
0x5b: {  	_ =	shalt  }
0x5c: {  	_ =	shalt  }
0x5d: {  	_ =	shalt  }
0x5e: {  	_ =	shalt  }
0x5f: {  	_ =	shalt  }
0x60: {  	_ =	shalt  }
0x61: {  	_ =	shalt  }
0x62: {  	_ =	shalt  }
0x63: {  	_ =	shalt  }
0x64: {  	_ =	shalt  }
0x65: {  	_ =	shalt  }
0x66: {  	_ =	shalt  }
0x67: {  	_ =	shalt  }
0x68: {  	_ =	shalt  }
0x69: {  	_ =	shalt  }
0x6a: {  	_ =	shalt  }
0x6b: {  	_ =	shalt  }
0x6c: {  	_ =	shalt  }
0x6d: {  	_ =	shalt  }
0x6e: {  	_ =	shalt  }
0x6f: {  	_ =	shalt  }
0x70: {  	_ =	shalt  }
0x71: {  	_ =	shalt  }
0x72: {  	_ =	shalt  }
0x73: {  	_ =	shalt  }
0x74: {  	_ =	shalt  }
0x75: {  	_ =	shalt  }
0x76: {  	_ =	shalt  }
0x77: {  	_ =	shalt  }
0x78: {  	_ =	shalt  }
0x79: {  	_ =	shalt  }
0x7a: {  	_ =	shalt  }
0x7b: {  	_ =	shalt  }
0x7c: {  	_ =	shalt  }
0x7d: {  	_ =	shalt  }
0x7e: {  	_ =	shalt  }
0x7f: {  	_ =	shalt  }
0x80: {  	_ =	shalt  }
0x81: {  	_ =	shalt  }
0x82: {  	_ =	shalt  }
0x83: {  	_ =	shalt  }
0x84: {  	_ =	shalt  }
0x85: {  	_ =	shalt  }
0x86: {  	_ =	shalt  }
0x87: {  	_ =	shalt  }
.Lfunc_end0:
.L_simem_size_0:
called_computation.1_lowered:
.L_overlay_start_0:
0x88: {  	s2 =	sld [smem:$0x3FD9]  }
0x89: {  	s3 =	sld [smem:$0x3FFE];
	_ =	sdelay $0x1  }
0x8a: {  	s1 =	srdreg.scid  }
0x8b: {  	s0 =	sand.u32 $0x1, s1  }
0x8c: {  	s17 =	sshll.u32 s0, $0xA;
	s2 =	sadd.s32 s3, s2  }
0x8d: {  	s2 =	sadd.s32 s2, s17  }
0x8e: {  	[smem:$0x3FC1] =	sst s2  }
0x8f: {  	_ = 	snop  }
0x90: {  	s18 =	sld [smem:$0x3FC7];
	(tm) =	ssettm $0x1  }
0x91: {  	s19 =	sld [smem:$0x3FFB];
	_ =	sdelay $0x3  }
0x92: {  	_ =	strace s19  }
0x93: {  	s2 =	sld [smem:$0x3FFC];
	_ =	sdelay $0x3  }
0x94: {  	_ =	strace s2  }
0x95: {  	s2 =	sld [smem:$0x3FFD];
	_ =	sdelay $0x3  }
0x96: {  	_ =	strace s2  }
0x97: {  	_ =	strace $0x8FFFFFFF  }
0x98: {  	s20 =	sld [smem:$0x3FDB];
	_ =	sdelay $0x1  }
0x99: {  	s4 =	simm.s32 $_scs_section_size  }
0x9a: {  	s5 =	simm.s32 $_size__tile_overlayer_lowered;
	s6 =	simm.s32 $_tile_overlayer_lowered  }
0x9b: {  	s7 =	simm.s32 $0x1BFF;
	s21 =	sshll.u32 s6, $0x1;
	s4 =	sadd.s32 s4, s20  }
0x9c: {  	s22 =	simm.s32 $0x0;
	s5 =	sshll.u32 s5, $0x1;
	s6 =	sadd.s32 s21, s4  }
0x9d: {  	[timem:s22], [sflag:s7] =	dma.local [hbm:s6], s5  }
0x9e: {  	_ =	swait.ge [sflag:s7], s5  }
0x9f: {  	s5 =	ssub.s32 $0x0, s5;
	[sflag:s7] =	ssyncset.done $0x0  }
0xa0: {  	[sflag:s7] =	ssyncadd.s32 s5;
	_ =	sdelay $0x1  }
0xa1: {  	s23 =	simm.s32 $0x1B8B  }
0xa2: {  	_ =	swait.ge [sflag:s23], $0x1  }
0xa3: {  	[sflag:s23] =	ssyncset.done $0x0  }
0xa4: {  	[sflag:s23] =	ssyncadd.s32 $0xFFFFFFFF  }
0xa5: {  	s5 =	sld [smem:$0x0]  }
0xa6: {  	s6 =	sand.u32 $0xFFFFFFFE, s1  }
0xa7: {  	p0 =	sne.s32 s1, s6  }
0xa8: {  	s6 =	sshll.u32 @p0 s6, $0xE  }
0xa9: {  	s6 =	sadd.s32 @p0 $0x11B8D, s6;
	s7 =	sshll.u32 @p0 s5, $0x11  }
0xaa: {  	s6 =	sor.u32 @p0 s7, s6  }
0xab: {  	[sflag:s6] =	ssyncadd.remote.s32 @p0 $0x1;
	_ =	sdelay $0x1  }
0xac: {  	s6 =	simm.s32 @p0 $0x1B8D  }
0xad: {  	_ =	swait.eq @p0 [sflag:s6], $0x1  }
0xae: {  	[sflag:s6] =	ssyncadd.s32 @p0 $0xFFFFFFFF  }
0xaf: {  	s7 =	sshll.u32 @!p0 s1, $0xE  }
0xb0: {  	s7 =	sor.u32 @!p0 $0x4000, s7;
	s6 =	simm.s32 @!p0 $0x1B8D  }
0xb1: {  	s5 =	sshll.u32 @!p0 s5, $0x11;
	s7 =	sadd.s32 @!p0 $0x11B8D, s7;
	_ =	swait.eq @!p0 [sflag:s6], $0x1  }
0xb2: {  	s5 =	sor.u32 @!p0 s5, s7;
	[sflag:s6] =	ssyncadd.s32 @!p0 $0xFFFFFFFF  }
0xb3: {  	s25 =	simm.s32 $0x1B8E;
	s24 =	sld [smem:$0x3FFE];
	[sflag:s5] =	ssyncadd.remote.s32 @!p0 $0x1  }
0xb4: {  	s26 =	simm.s32 $execute0_lowered;
	[smem:$0x3FD2] =	sst s25  }
0xb5: {  	s6 =	sshll.u32 s26, $0x1;
	_ =	strace $0x80000049;
	[dreg:$0x1] =	wrdreg $0xFFFFFFFF  }
0xb6: {  	s28 =	simm.s32 $_size_execute0_lowered;
	s4 =	sadd.s32 s4, s6;
	[dreg:$0x0] =	wrdreg $0x0  }
0xb7: {  	s6 =	sshll.u32 s28, $0x1;
	[dreg:$0x2] =	wrdreg s4  }
0xb8: {  	[dreg:$0x3] =	wrdreg s6  }
0xb9: {  	[dreg:$0x4] =	wrdreg $0xC0  }
0xba: {  	_ =	task [dreg:s22], $0x5FFFF  }
0xbb: {  	[dreg:$0x1] =	wrdreg $0xFFFFFFFF  }
0xbc: {  	[dreg:$0x0] =	wrdreg $0x60  }
0xbd: {  	[dreg:$0x2] =	wrdreg s24  }
0xbe: {  	[dreg:$0x3] =	wrdreg s18  }
0xbf: {  	[dreg:$0x4] =	wrdreg $0xA  }
0xc0: {  	_ =	task.clear_ibuf [dreg:s22], $0x5FFFF;
	_ =	strace $0x90000049  }
0xc1: {  	s29 =	simm.s32 $0xA;
	_ =	strace $0x8000004B  }
0xc2: {  	_ =	swait.ge [sflag:s29], $0x1  }
0xc3: {  	[sflag:s29] =	ssyncadd.s32 $0xFFFFFFFF  }
0xc4: {  	_ =	strace $0x9000004B  }
0xc5: {  	_ =	sfence  }
0xc6: {  	s30 =	sld [smem:$0x0];
	_ =	sdelay $0x2  }
0xc7: {  	s31 =	sshll.u32 s1, $0xD;
	s1 =	sshrl.u32 s1, $0x2  }
0xc8: {  	s4 =	sand.u32 $0x4000, s31;
	s1 =	sadd.s32 s1, s30  }
0xc9: {  	s0 =	sor.u32 s4, s0;
	s1 =	sshll.u32 s1, $0x11  }
0xca: {  	s0 =	sor.u32 s1, s0  }
0xcb: {  	s0 =	sadd.s32 $0x8F2B, s0  }
0xcc: {  	[sflag:s0] =	ssyncadd.remote.s32 $0x1  }
0xcd: {  	_ =	sfence.sel $0xFFFF  }
0xce: {  	[dreg:$0x0] =	wrdreg $0xFFFFFFFF;
	(pc) =	sbr.abs _section_cstart, $3  }
0xcf: {  	[dreg:$0x1] =	wrdreg $0xFFFFFFFF  }
0xd0: {  	_ =	task.clear_ibuf [dreg:s22], $0x2FFFF;
	_ =	strace $0x9FFFFFFF  }
0xd1: {  	(tm) =	ssettm $0x7FFFFFFF  }
tec
execute0_lowered:
.L_overlay_start_1:
0x0: {  	(tag) =	ssettag $0x1  }
0x1: {  	s1 =	srdreg.scid  }
0x2: {  	s0 =	stileid.u32;
	s1 =	sand.u32 $0x1, s1  }
0x3: {  	s4 =	rddreg [dreg:$0x0];
	s3 =	sshll.u32 s0, $0x5;
	s5 =	sshll.u32 s1, $0x4  }
0x4: {  	s2 =	rddreg [dreg:$0x1];
	s5 =	sor.u32 s5, s3;
	s3 =	simm.s32 $0x0  }
0x5: {  	s15 =	simm.s32 $0x880;
	[smem:$0x7FF] =	sst s3  }
0x6: {  	s16 =	simm.s32 $0x1080;
	_ =	strace $0x8000004A;
	[dreg:$0x7] =	wrdreg s15  }
0x7: {  	s17 =	simm.s32 $0x1880;
	[dreg:$0x8] =	wrdreg s16  }
0x8: {  	s18 =	simm.s32 $0x2080;
	[dreg:$0x9] =	wrdreg s17  }
0x9: {  	s19 =	simm.s32 $0x2880;
	[dreg:$0xa] =	wrdreg s18  }
0xa: {  	s20 =	simm.s32 $0x3080;
	[dreg:$0xb] =	wrdreg s19  }
0xb: {  	s21 =	simm.s32 $0x3880;
	[dreg:$0xc] =	wrdreg s20  }
0xc: {  	s22 =	simm.s32 $0x4080;
	[dreg:$0xd] =	wrdreg s21  }
0xd: {  	s23 =	simm.s32 $0x4880;
	[dreg:$0xe] =	wrdreg s22  }
0xe: {  	s24 =	simm.s32 $0x5080;
	[dreg:$0xf] =	wrdreg s23  }
0xf: {  	s25 =	simm.s32 $0x5880;
	[dreg:$0x10] =	wrdreg s24  }
0x10: {  	s26 =	simm.s32 $0x6880;
	[dreg:$0x11] =	wrdreg s25  }
0x11: {  	s9 =	simm.s32 $0x9080;
	s0 =	simm.s32 $0x7080;
	[dreg:$0x12] =	wrdreg s26  }
0x12: {  	s10 =	simm.s32 $0x9880;
	s6 =	smul.u32 $0x300, s5;
	[dreg:$0x13] =	wrdreg s0  }
0x13: {  	s7 =	smul.u32 $0x1800, s5;
	s5 =	sadd.s32 s5, s4;
	[dreg:$0x17] =	wrdreg s9  }
0x14: {  	s28 =	simm.s32 $0x4;
	s5 =	sadd.s32 $0x1A00, s5;
	[dreg:$0x18] =	wrdreg s10  }
0x15: {  	s29 =	simm.s32 $0x5;
	s15 =	simm.s32 $0xC880;
	[dreg:$0x3] =	wrdreg s5  }
0x16: {  	s30 =	simm.s32 $0x6;
	s16 =	simm.s32 $0xD080;
	[dreg:$0x1d] =	wrdreg s15  }
0x17: {  	s31 =	simm.s32 $0x7;
	s18 =	simm.s32 $0xD880;
	[dreg:$0x1e] =	wrdreg s16  }
0x18: {  	s8 =	sadd.s32 $0x1C00, s4;
	s19 =	simm.s32 $0xE080;
	[dreg:$0x1f] =	wrdreg s18  }
0x19: {  	s1 =	ssub.s32 $0x2, s1;
	s20 =	simm.s32 $0xE880;
	[smem:$0x7F6] =	sst s19  }
0x1a: {  	s17 =	sshrl.u32 s1, $0x1;
	s21 =	simm.s32 $0xF080;
	[smem:$0x7F7] =	sst s20  }
0x1b: {  	s22 =	simm.s32 $0xF880;
	s23 =	simm.s32 $0x10080;
	[smem:$0x7F8] =	sst s21  }
0x1c: {  	s9 =	simm.s32 $0x80;
	s24 =	simm.s32 $0x10880;
	[smem:$0x7F9] =	sst s22  }
0x1d: {  	s10 =	simm.s32 $0x6080;
	s25 =	simm.s32 $0x11080;
	[smem:$0x7FA] =	sst s23  }
0x1e: {  	s26 =	simm.s32 $0x11880;
	s4 =	sadd.s32 s8, s6;
	[smem:$0x7FB] =	sst s24  }
0x1f: {  	s11 =	sshrl.u32 s7, $0x3;
	s7 =	simm.s32 $0x8080;
	[smem:$0x7FC] =	sst s25  }
0x20: {  	s1 =	ssub.s32 s1, s17;
	s5 =	sadd.s32 $0x100, s2;
	[smem:$0x7FD] =	sst s26  }
0x21: {  	s15 =	simm.s32 $0x13880;
	s16 =	simm.s32 $0x14080;
	s17 =	simm.s32 $0x14880  }
0x22: {  	s18 =	simm.s32 $0x15080;
	s19 =	simm.s32 $0x15880;
	s20 =	simm.s32 $0x16080  }
0x23: {  	s21 =	simm.s32 $0x16880;
	s22 =	simm.s32 $0x17080;
	s23 =	simm.s32 $0x17880  }
0x24: {  	s24 =	simm.s32 $0x1;
	s12 =	sadd.s32 $0xC00, s4;
	[dreg:$0x15] =	wrdreg s7  }
0x25: {  	s6 =	sadd.s32 s8, s11;
	s8 =	simm.s32 $0x8880;
	[dreg:$0x4] =	wrdreg s12  }
0x26: {  	s25 =	simm.s32 $0x2;
	s11 =	simm.s32 $0xA080;
	[dreg:$0x16] =	wrdreg s8  }
0x27: {  	s26 =	simm.s32 $0x3;
	s13 =	sadd.s32 $0x1800, s6;
	[dreg:$0x19] =	wrdreg s11  }
0x28: {  	s7 =	smax.u32 s1, $0x1;
	s14 =	sadd.s32 $0x2400, s6;
	[dreg:$0x5] =	wrdreg s13  }
0x29: {  	s1 =	simm.s32 $0x8;
	s6 =	simm.s32 $0x7880;
	[dreg:$0x6] =	wrdreg s14  }
0x2a: {  	s12 =	simm.s32 $0xA880;
	s8 =	simm.s32 $0x9;
	[dreg:$0x14] =	wrdreg s6  }
0x2b: {  	v2 =	vlaneseq.u32;
	s11 =	simm.s32 $0xC080;
	[dreg:$0x1a] =	wrdreg s12;
	s13 =	simm.s32 $0xB080  }
0x2c: {  	vm0 =	vmmov $0xffff;
	v1 =	vshrl.u32 v2, $0x3;
	s14 =	simm.s32 $0xB880;
	s6 =	sadd.s32 $0x200, s2;
	[dreg:$0x1b] =	wrdreg s13  }
0x2d: {  	v0 =	vand.u32 $0x7, v2;
	v2 =	vor.u32 $0x8, v2;
	v1 =	vmul.u32 $0x8, v1;
	s12 =	simm.s32 $0x12080;
	[dreg:$0x1c] =	wrdreg s14;
	s14 =	simm.s32 $0x13080  }
.LBB2_1:
0x2e: {  	s0 =	rddreg [dreg:$0x3]  }
0x2f: {  	[tilespmem:s3], [sflag:$0x9] =	stream.linear.gather [hbm4b:s0+s3], $0x80, $0x38;
	[tilespmem:$0x18080] =	vst v63  }
0x30: {  	_ =	swait.ge [sflag:s8], $0x80  }
0x31: {  	[sflag:s8] =	ssyncset.done $0x0  }
0x32: {  	[sflag:s8] =	ssyncadd.s32 $0xFFFFFF80  }
0x33: {  	v3 =	vld [tilespmem:$0x0];
	_ =	sdelay $0x4  }
0x34: {  	v4 =	vshrl.u32 v3, $0x3  }
0x35: {  	v4 =	vmul.u32 $0x30, v4  }
0x36: {  	v3 =	vand.u32 $0x7, v3  }
0x37: {  	v3 =	vor.u32 v3, v4  }
0x38: {  	v4 =	vperm.xlane v3, v0;
	_ =	sdelay $0x1  }
0x39: {  	v4 =	vadd.s32 v1, v4;
	_ =	sdelay $0x3  }
0x3a: {  	v3 =	vperm.xlane v3, v2  }
0x3b: {  	[tilespmem:s9], [sflag:$0x1] =	stream.indirect_vreg.gather [hbm4b:s2+s3], $0x80, v4, vm0, $0xb8;
	[tilespmem:$0x18080] =	vst v63  }
0x3c: {  	s0 =	rddreg [dreg:$0x7];
	v3 =	vadd.s32 v1, v3  }
0x3d: {  	[tilespmem:s0], [sflag:$0x1] =	stream.indirect_vreg.gather [hbm4b:s5+s3], $0x80, v4, vm0, $0xb8;
	[tilespmem:$0x18080] =	vst v63  }
0x3e: {  	s13 =	rddreg [dreg:$0x8]  }
0x3f: {  	[tilespmem:s13], [sflag:$0x1] =	stream.indirect_vreg.gather [hbm4b:s6+s3], $0x80, v4, vm0, $0xb8;
	[tilespmem:$0x18080] =	vst v63  }
0x40: {  	s0 =	rddreg [dreg:$0x9]  }
0x41: {  	[tilespmem:s0], [sflag:$0x1] =	stream.indirect_vreg.gather [hbm4b:s2+s3], $0x80, v3, vm0, $0xb8;
	[tilespmem:$0x18080] =	vst v63  }
0x42: {  	s13 =	rddreg [dreg:$0xa]  }
0x43: {  	[tilespmem:s13], [sflag:$0x1] =	stream.indirect_vreg.gather [hbm4b:s5+s3], $0x80, v3, vm0, $0xb8;
	[tilespmem:$0x18080] =	vst v63  }
0x44: {  	s0 =	rddreg [dreg:$0xb]  }
0x45: {  	[tilespmem:s0], [sflag:$0x1] =	stream.indirect_vreg.gather [hbm4b:s6+s3], $0x80, v3, vm0, $0xb8;
	[tilespmem:$0x18080] =	vst v63  }
0x46: {  	v3 =	vld [tilespmem:$0x10];
	_ =	sdelay $0x4  }
0x47: {  	v57 =	vshrl.u32 v3, $0x3  }
0x48: {  	v4 =	vmul.u32 $0x30, v57  }
0x49: {  	v3 =	vand.u32 $0x7, v3  }
0x4a: {  	v3 =	vor.u32 v3, v4  }
0x4b: {  	v4 =	vperm.xlane v3, v0;
	_ =	sdelay $0x1  }
0x4c: {  	v4 =	vadd.s32 v1, v4;
	_ =	sdelay $0x3  }
0x4d: {  	s0 =	rddreg [dreg:$0xc];
	v3 =	vperm.xlane v3, v2  }
0x4e: {  	[tilespmem:s0], [sflag:$0x1] =	stream.indirect_vreg.gather [hbm4b:s2+s3], $0x80, v4, vm0, $0xb8;
	[tilespmem:$0x18080] =	vst v63  }
0x4f: {  	s13 =	rddreg [dreg:$0xd];
	v3 =	vadd.s32 v1, v3  }
0x50: {  	[tilespmem:s13], [sflag:$0x1] =	stream.indirect_vreg.gather [hbm4b:s5+s3], $0x80, v4, vm0, $0xb8;
	[tilespmem:$0x18080] =	vst v63  }
0x51: {  	s0 =	rddreg [dreg:$0xe]  }
0x52: {  	[tilespmem:s0], [sflag:$0x1] =	stream.indirect_vreg.gather [hbm4b:s6+s3], $0x80, v4, vm0, $0xb8;
	[tilespmem:$0x18080] =	vst v63  }
0x53: {  	s13 =	rddreg [dreg:$0xf]  }
0x54: {  	[tilespmem:s13], [sflag:$0x1] =	stream.indirect_vreg.gather [hbm4b:s2+s3], $0x80, v3, vm0, $0xb8;
	[tilespmem:$0x18080] =	vst v63  }
0x55: {  	s0 =	rddreg [dreg:$0x10]  }
0x56: {  	[tilespmem:s0], [sflag:$0x1] =	stream.indirect_vreg.gather [hbm4b:s5+s3], $0x80, v3, vm0, $0xb8;
	[tilespmem:$0x18080] =	vst v63  }
0x57: {  	s13 =	rddreg [dreg:$0x11]  }
0x58: {  	[tilespmem:s13], [sflag:$0x1] =	stream.indirect_vreg.gather [hbm4b:s6+s3], $0x80, v3, vm0, $0xb8;
	[tilespmem:$0x18080] =	vst v63  }
0x59: {  	v3 =	vld [tilespmem:$0x20];
	_ =	sdelay $0x4  }
0x5a: {  	v58 =	vshrl.u32 v3, $0x3  }
0x5b: {  	v4 =	vmul.u32 $0x30, v58  }
0x5c: {  	v3 =	vand.u32 $0x7, v3  }
0x5d: {  	v3 =	vor.u32 v3, v4  }
0x5e: {  	v4 =	vperm.xlane v3, v0;
	_ =	sdelay $0x1  }
0x5f: {  	v4 =	vadd.s32 v1, v4;
	_ =	sdelay $0x3  }
0x60: {  	v3 =	vperm.xlane v3, v2  }
0x61: {  	[tilespmem:s10], [sflag:$0x2] =	stream.indirect_vreg.gather [hbm4b:s2+s3], $0x80, v4, vm0, $0xb8;
	[tilespmem:$0x18080] =	vst v63  }
0x62: {  	s0 =	rddreg [dreg:$0x12];
	v3 =	vadd.s32 v1, v3  }
0x63: {  	[tilespmem:s0], [sflag:$0x2] =	stream.indirect_vreg.gather [hbm4b:s5+s3], $0x80, v4, vm0, $0xb8;
	[tilespmem:$0x18080] =	vst v63  }
0x64: {  	s13 =	rddreg [dreg:$0x13]  }
0x65: {  	[tilespmem:s13], [sflag:$0x2] =	stream.indirect_vreg.gather [hbm4b:s6+s3], $0x80, v4, vm0, $0xb8;
	[tilespmem:$0x18080] =	vst v63  }
0x66: {  	s0 =	rddreg [dreg:$0x14]  }
0x67: {  	[tilespmem:s0], [sflag:$0x2] =	stream.indirect_vreg.gather [hbm4b:s2+s3], $0x80, v3, vm0, $0xb8;
	[tilespmem:$0x18080] =	vst v63  }
0x68: {  	s13 =	rddreg [dreg:$0x15]  }
0x69: {  	[tilespmem:s13], [sflag:$0x2] =	stream.indirect_vreg.gather [hbm4b:s5+s3], $0x80, v3, vm0, $0xb8;
	[tilespmem:$0x18080] =	vst v63  }
0x6a: {  	s0 =	rddreg [dreg:$0x16]  }
0x6b: {  	[tilespmem:s0], [sflag:$0x2] =	stream.indirect_vreg.gather [hbm4b:s6+s3], $0x80, v3, vm0, $0xb8;
	[tilespmem:$0x18080] =	vst v63  }
0x6c: {  	v3 =	vld [tilespmem:$0x30];
	_ =	sdelay $0x4  }
0x6d: {  	v59 =	vshrl.u32 v3, $0x3  }
0x6e: {  	v4 =	vmul.u32 $0x30, v59  }
0x6f: {  	v3 =	vand.u32 $0x7, v3  }
0x70: {  	v3 =	vor.u32 v3, v4  }
0x71: {  	v4 =	vperm.xlane v3, v0;
	_ =	sdelay $0x1  }
0x72: {  	v4 =	vadd.s32 v1, v4;
	_ =	sdelay $0x3  }
0x73: {  	s0 =	rddreg [dreg:$0x17];
	v3 =	vperm.xlane v3, v2  }
0x74: {  	[tilespmem:s0], [sflag:$0x2] =	stream.indirect_vreg.gather [hbm4b:s2+s3], $0x80, v4, vm0, $0xb8;
	[tilespmem:$0x18080] =	vst v63  }
0x75: {  	s13 =	rddreg [dreg:$0x18];
	v3 =	vadd.s32 v1, v3  }
0x76: {  	[tilespmem:s13], [sflag:$0x2] =	stream.indirect_vreg.gather [hbm4b:s5+s3], $0x80, v4, vm0, $0xb8;
	[tilespmem:$0x18080] =	vst v63  }
0x77: {  	s0 =	rddreg [dreg:$0x19]  }
0x78: {  	[tilespmem:s0], [sflag:$0x2] =	stream.indirect_vreg.gather [hbm4b:s6+s3], $0x80, v4, vm0, $0xb8;
	[tilespmem:$0x18080] =	vst v63  }
0x79: {  	s13 =	rddreg [dreg:$0x1a]  }
0x7a: {  	[tilespmem:s13], [sflag:$0x2] =	stream.indirect_vreg.gather [hbm4b:s2+s3], $0x80, v3, vm0, $0xb8;
	[tilespmem:$0x18080] =	vst v63  }
0x7b: {  	s0 =	rddreg [dreg:$0x1b]  }
0x7c: {  	[tilespmem:s0], [sflag:$0x2] =	stream.indirect_vreg.gather [hbm4b:s5+s3], $0x80, v3, vm0, $0xb8;
	[tilespmem:$0x18080] =	vst v63  }
0x7d: {  	s13 =	rddreg [dreg:$0x1c]  }
0x7e: {  	[tilespmem:s13], [sflag:$0x2] =	stream.indirect_vreg.gather [hbm4b:s6+s3], $0x80, v3, vm0, $0xb8;
	[tilespmem:$0x18080] =	vst v63  }
0x7f: {  	v3 =	vld [tilespmem:$0x40];
	_ =	sdelay $0x4  }
0x80: {  	v60 =	vshrl.u32 v3, $0x3  }
0x81: {  	v4 =	vmul.u32 $0x30, v60  }
0x82: {  	v3 =	vand.u32 $0x7, v3  }
0x83: {  	v3 =	vor.u32 v3, v4  }
0x84: {  	v4 =	vperm.xlane v3, v0;
	_ =	sdelay $0x1  }
0x85: {  	v4 =	vadd.s32 v1, v4;
	_ =	sdelay $0x3  }
0x86: {  	s0 =	rddreg [dreg:$0x1d];
	v3 =	vperm.xlane v3, v2  }
0x87: {  	[tilespmem:s11], [sflag:$0x3] =	stream.indirect_vreg.gather [hbm4b:s2+s3], $0x80, v4, vm0, $0xb8;
	[tilespmem:$0x18080] =	vst v63  }
0x88: {  	s13 =	rddreg [dreg:$0x1e];
	v3 =	vadd.s32 v1, v3  }
0x89: {  	[tilespmem:s0], [sflag:$0x3] =	stream.indirect_vreg.gather [hbm4b:s5+s3], $0x80, v4, vm0, $0xb8;
	[tilespmem:$0x18080] =	vst v63  }
0x8a: {  	s0 =	rddreg [dreg:$0x1f]  }
0x8b: {  	[tilespmem:s13], [sflag:$0x3] =	stream.indirect_vreg.gather [hbm4b:s6+s3], $0x80, v4, vm0, $0xb8;
	[tilespmem:$0x18080] =	vst v63  }
0x8c: {  	s13 =	sld [smem:$0x7F6]  }
0x8d: {  	[tilespmem:s0], [sflag:$0x3] =	stream.indirect_vreg.gather [hbm4b:s2+s3], $0x80, v3, vm0, $0xb8;
	[tilespmem:$0x18080] =	vst v63  }
0x8e: {  	s0 =	sld [smem:$0x7F7]  }
0x8f: {  	[tilespmem:s13], [sflag:$0x3] =	stream.indirect_vreg.gather [hbm4b:s5+s3], $0x80, v3, vm0, $0xb8;
	[tilespmem:$0x18080] =	vst v63  }
0x90: {  	_ = 	snop  }
0x91: {  	[tilespmem:s0], [sflag:$0x3] =	stream.indirect_vreg.gather [hbm4b:s6+s3], $0x80, v3, vm0, $0xb8;
	[tilespmem:$0x18080] =	vst v63  }
0x92: {  	v3 =	vld [tilespmem:$0x50];
	_ =	sdelay $0x4  }
0x93: {  	v61 =	vshrl.u32 v3, $0x3  }
0x94: {  	v4 =	vmul.u32 $0x30, v61  }
0x95: {  	v3 =	vand.u32 $0x7, v3  }
0x96: {  	v3 =	vor.u32 v3, v4  }
0x97: {  	v4 =	vperm.xlane v3, v0;
	_ =	sdelay $0x1  }
0x98: {  	v4 =	vadd.s32 v1, v4;
	_ =	sdelay $0x1  }
0x99: {  	s0 =	sld [smem:$0x7F8];
	_ =	sdelay $0x1  }
0x9a: {  	s13 =	sld [smem:$0x7F9];
	v3 =	vperm.xlane v3, v2  }
0x9b: {  	[tilespmem:s0], [sflag:$0x3] =	stream.indirect_vreg.gather [hbm4b:s2+s3], $0x80, v4, vm0, $0xb8;
	[tilespmem:$0x18080] =	vst v63  }
0x9c: {  	v3 =	vadd.s32 v1, v3;
	s0 =	sld [smem:$0x7FA]  }
0x9d: {  	[tilespmem:s13], [sflag:$0x3] =	stream.indirect_vreg.gather [hbm4b:s5+s3], $0x80, v4, vm0, $0xb8;
	[tilespmem:$0x18080] =	vst v63  }
0x9e: {  	s13 =	sld [smem:$0x7FB]  }
0x9f: {  	[tilespmem:s0], [sflag:$0x3] =	stream.indirect_vreg.gather [hbm4b:s6+s3], $0x80, v4, vm0, $0xb8;
	[tilespmem:$0x18080] =	vst v63  }
0xa0: {  	s0 =	sld [smem:$0x7FC]  }
0xa1: {  	[tilespmem:s13], [sflag:$0x3] =	stream.indirect_vreg.gather [hbm4b:s2+s3], $0x80, v3, vm0, $0xb8;
	[tilespmem:$0x18080] =	vst v63  }
0xa2: {  	s13 =	sld [smem:$0x7FD]  }
0xa3: {  	[tilespmem:s0], [sflag:$0x3] =	stream.indirect_vreg.gather [hbm4b:s5+s3], $0x80, v3, vm0, $0xb8;
	[tilespmem:$0x18080] =	vst v63  }
0xa4: {  	_ = 	snop  }
0xa5: {  	[tilespmem:s13], [sflag:$0x3] =	stream.indirect_vreg.gather [hbm4b:s6+s3], $0x80, v3, vm0, $0xb8;
	[tilespmem:$0x18080] =	vst v63  }
0xa6: {  	v3 =	vld [tilespmem:$0x60];
	_ =	sdelay $0x4  }
0xa7: {  	v62 =	vshrl.u32 v3, $0x3  }
0xa8: {  	v4 =	vmul.u32 $0x30, v62  }
0xa9: {  	v3 =	vand.u32 $0x7, v3  }
0xaa: {  	v3 =	vor.u32 v3, v4  }
0xab: {  	v4 =	vperm.xlane v3, v0;
	_ =	sdelay $0x1  }
0xac: {  	v4 =	vadd.s32 v1, v4;
	_ =	sdelay $0x3  }
0xad: {  	v3 =	vperm.xlane v3, v2  }
0xae: {  	[tilespmem:s12], [sflag:$0x4] =	stream.indirect_vreg.gather [hbm4b:s2+s3], $0x80, v4, vm0, $0xb8;
	[tilespmem:$0x18080] =	vst v63  }
0xaf: {  	s13 =	simm.s32 $0x12880;
	v3 =	vadd.s32 v1, v3  }
0xb0: {  	[tilespmem:s13], [sflag:$0x4] =	stream.indirect_vreg.gather [hbm4b:s5+s3], $0x80, v4, vm0, $0xb8;
	[tilespmem:$0x18080] =	vst v63  }
0xb1: {  	_ = 	snop  }
0xb2: {  	[tilespmem:s14], [sflag:$0x4] =	stream.indirect_vreg.gather [hbm4b:s6+s3], $0x80, v4, vm0, $0xb8;
	[tilespmem:$0x18080] =	vst v63  }
0xb3: {  	_ = 	snop  }
0xb4: {  	[tilespmem:s15], [sflag:$0x4] =	stream.indirect_vreg.gather [hbm4b:s2+s3], $0x80, v3, vm0, $0xb8;
	[tilespmem:$0x18080] =	vst v63  }
0xb5: {  	_ = 	snop  }
0xb6: {  	[tilespmem:s16], [sflag:$0x4] =	stream.indirect_vreg.gather [hbm4b:s5+s3], $0x80, v3, vm0, $0xb8;
	[tilespmem:$0x18080] =	vst v63  }
0xb7: {  	_ = 	snop  }
0xb8: {  	[tilespmem:s17], [sflag:$0x4] =	stream.indirect_vreg.gather [hbm4b:s6+s3], $0x80, v3, vm0, $0xb8;
	[tilespmem:$0x18080] =	vst v63  }
0xb9: {  	v3 =	vld [tilespmem:$0x70];
	_ =	sdelay $0x4  }
0xba: {  	v63 =	vshrl.u32 v3, $0x3  }
0xbb: {  	v4 =	vmul.u32 $0x30, v63  }
0xbc: {  	v3 =	vand.u32 $0x7, v3  }
0xbd: {  	v3 =	vor.u32 v3, v4  }
0xbe: {  	v4 =	vperm.xlane v3, v0;
	_ =	sdelay $0x1  }
0xbf: {  	v4 =	vadd.s32 v1, v4;
	_ =	sdelay $0x3  }
0xc0: {  	v3 =	vperm.xlane v3, v2  }
0xc1: {  	[tilespmem:s18], [sflag:$0x4] =	stream.indirect_vreg.gather [hbm4b:s2+s3], $0x80, v4, vm0, $0xb8;
	[tilespmem:$0x18080] =	vst v63  }
0xc2: {  	v3 =	vadd.s32 v1, v3  }
0xc3: {  	[tilespmem:s19], [sflag:$0x4] =	stream.indirect_vreg.gather [hbm4b:s5+s3], $0x80, v4, vm0, $0xb8;
	[tilespmem:$0x18080] =	vst v63  }
0xc4: {  	_ = 	snop  }
0xc5: {  	[tilespmem:s20], [sflag:$0x4] =	stream.indirect_vreg.gather [hbm4b:s6+s3], $0x80, v4, vm0, $0xb8;
	[tilespmem:$0x18080] =	vst v63  }
0xc6: {  	_ = 	snop  }
0xc7: {  	[tilespmem:s21], [sflag:$0x4] =	stream.indirect_vreg.gather [hbm4b:s2+s3], $0x80, v3, vm0, $0xb8;
	[tilespmem:$0x18080] =	vst v63  }
0xc8: {  	_ = 	snop  }
0xc9: {  	[tilespmem:s22], [sflag:$0x4] =	stream.indirect_vreg.gather [hbm4b:s5+s3], $0x80, v3, vm0, $0xb8;
	[tilespmem:$0x18080] =	vst v63  }
0xca: {  	_ = 	snop  }
0xcb: {  	[tilespmem:s23], [sflag:$0x4] =	stream.indirect_vreg.gather [hbm4b:s6+s3], $0x80, v3, vm0, $0xb8;
	[tilespmem:$0x18080] =	vst v63  }
0xcc: {  	_ =	swait.ge [sflag:s24], $0x6000  }
0xcd: {  	[sflag:s24] =	ssyncset.done $0x0  }
0xce: {  	[sflag:s24] =	ssyncadd.s32 $0xFFFFA000  }
0xcf: {  	[hbm4b:s4+s3] =	stream.linear.scatter [tilespmem:s9], [sflag:$0x5], $0x6000, $0x38;
	[tilespmem:$0x18080] =	vst v63  }
0xd0: {  	_ =	swait.ge [sflag:s25], $0x6000  }
0xd1: {  	[sflag:s25] =	ssyncset.done $0x0  }
0xd2: {  	s13 =	rddreg [dreg:$0x4];
	[sflag:s25] =	ssyncadd.s32 $0xFFFFA000  }
0xd3: {  	[hbm4b:s13+s3] =	stream.linear.scatter [tilespmem:s10], [sflag:$0x6], $0x6000, $0x38;
	[tilespmem:$0x18080] =	vst v63  }
0xd4: {  	_ =	swait.ge [sflag:s26], $0x6000  }
0xd5: {  	[sflag:s26] =	ssyncset.done $0x0  }
0xd6: {  	s13 =	rddreg [dreg:$0x5];
	[sflag:s26] =	ssyncadd.s32 $0xFFFFA000  }
0xd7: {  	[hbm4b:s13+s3] =	stream.linear.scatter [tilespmem:s11], [sflag:$0x7], $0x6000, $0x38;
	[tilespmem:$0x18080] =	vst v63  }
0xd8: {  	_ =	swait.ge [sflag:s28], $0x6000  }
0xd9: {  	[sflag:s28] =	ssyncset.done $0x0  }
0xda: {  	s13 =	rddreg [dreg:$0x6];
	[sflag:s28] =	ssyncadd.s32 $0xFFFFA000  }
0xdb: {  	[hbm4b:s13+s3] =	stream.linear.scatter [tilespmem:s12], [sflag:$0x8], $0x6000, $0x38;
	[tilespmem:$0x18080] =	vst v63  }
0xdc: {  	_ =	swait.ge [sflag:s29], $0x6000  }
0xdd: {  	[sflag:s29] =	ssyncset.done $0x0  }
0xde: {  	[sflag:s29] =	ssyncadd.s32 $0xFFFFA000  }
0xdf: {  	_ =	swait.ge [sflag:s30], $0x6000  }
0xe0: {  	[sflag:s30] =	ssyncset.done $0x0  }
0xe1: {  	[sflag:s30] =	ssyncadd.s32 $0xFFFFA000  }
0xe2: {  	p0 =	sne.s32 s7, $0x1;
	_ =	swait.ge [sflag:s31], $0x6000  }
.Ltmp0:
0xe3: {  	[sflag:s31] =	ssyncset.done $0x0;
	(pc) =	sbr.rel @p0 .LBB2_1-.Ltmp0, $4  }
0xe4: {  	[sflag:s31] =	ssyncadd.s32 $0xFFFFA000  }
0xe5: {  	_ =	swait.ge [sflag:s1], $0x6000  }
0xe6: {  	[sflag:s1] =	ssyncset.done $0x0  }
0xe7: {  	s7 =	sadd.s32 $0xFFFFFFFF, s7;
	[sflag:s1] =	ssyncadd.s32 $0xFFFFA000  }
0xe8: {  	_ =	sfence.sel $0x180000  }
0xe9: {  	[bflag:$0x0] =	sbarrier.arrive $0xFFFF  }
0xea: {  	_ =	strace $0x9000004A  }
0xeb: {  	s0 =	stileid.u32;
	[bflag:$0x2] =	sbarrier.arrive $0xFFFF  }
0xec: {  	p0 =	sne.s32 s0, $0x0;
	s0 =	rddreg [dreg:$0x2]  }
0xed: {  	s0 =	sadd.s32 @!p0 $0x100000, s0  }
0xee: {  	[sflag:s0] =	ssyncadd.tile.s32 @!p0 $0x1;
	_ =	shalt  }
.Lfunc_end2:
_tile_overlayer_lowered:
.L_overlay_start_2:
0xef: {  	(tag) =	ssettag $0x2  }
0xf0: {  	s0 =	rddreg [dreg:$0x0];
	s2 =	stileid.u32  }
0xf1: {  	s1 =	rddreg [dreg:$0x1];
	p0 =	sne.s32 s2, $0x0  }
0xf2: {  	s3 =	rddreg [dreg:$0x2];
	[bflag:$0x3] =	sbarrier.arrive $0xFFFF;
	s2 =	simm.s32 @!p0 $0x1C09  }
0xf3: {  	[timem:s3], [sflag:s2] =	dma.local @!p0 [hbm:s0], s1  }
0xf4: {  	s0 =	simm.s32 @!p0 $0x9  }
0xf5: {  	_ =	swait.ge @!p0 [sflag:s0], s1  }
0xf6: {  	s1 =	ssub.s32 @!p0 $0x0, s1;
	[sflag:s0] =	ssyncset.done @!p0 $0x0  }
0xf7: {  	[sflag:s0] =	ssyncadd.s32 @!p0 s1  }
0xf8: {  	[bflag:$0x3] =	sbarrier.arrive $0xFFFF  }
0xf9: {  	_ =	shalt  }

</sc_bundles>
